<compile_context>
chip_gen: v7x
topology: tpu7x:2x2x1
jax: 0.10.2.dev20260603
libtpu: 0.0.44.dev20260713+nightly
codegen_flags: <defaults>
</compile_context>

<pallas_src>
import functools

import jax
import jax.numpy as jnp
from jax import lax
from jax.experimental import pallas as pl
from jax.experimental.pallas import tpu as pltpu
from jax.experimental.pallas import tpu_sc as plsc

N = 10000
E = 320000
D = 128
POS = 3
POSP = 8
CONV = 128
LIN = 128
OUT = 10
G = 64

NC = 2
NS = 16
NW = NC * NS
EPW = E // NW
K = 80
NCH = EPW // K
IGB = 25
NIG = NCH // IGB
NP = 10240
ZCH = 32
NZT = NP // ZCH // NS
WCH = 128
NWT = NP // WCH // NS
CW = 16

RB = 1000
NB = N // RB

assert E == NW * NCH * K and NCH == NIG * IGB
assert NP == NZT * ZCH * NS == NWT * WCH * NS and NP >= N


def _make_agg(with_cnt):
    mesh = plsc.VectorSubcoreMesh(core_axis_name="c", subcore_axis_name="s")
    out_type = [jax.ShapeDtypeStruct((NC, NP, CONV), jnp.float32)]
    scratch = [
        pltpu.VMEM((IGB, K), jnp.int32),
        pltpu.VMEM((IGB, K), jnp.int32),
        pltpu.VMEM((K, CONV), jnp.float32),
        pltpu.VMEM((K, CONV), jnp.float32),
        pltpu.VMEM_SHARED((NP, CONV), jnp.float32),
        pltpu.SemaphoreType.DMA,
        pltpu.SemaphoreType.DMA,
    ]
    if with_cnt:
        out_type.append(jax.ShapeDtypeStruct((NC, NP, CONV), jnp.float32))
        scratch.append(pltpu.VMEM((K, CONV), jnp.float32))

    def body(z128_hbm, src_hbm, dst_hbm, g_hbm, *rest):
        if with_cnt:
            (a_hbm, c_hbm, src_v, dst_v, rows0, rows1, acc_sh, sem0, sem1,
             ones_v) = rest
        else:
            (a_hbm, src_v, dst_v, rows0, rows1, acc_sh, sem0, sem1) = rest
        c = lax.axis_index("c")
        s = lax.axis_index("s")
        w = c * NS + s
        row0 = s * (NP // NS)

        def _zero_acc():
            pltpu.sync_copy(z128_hbm.at[pl.ds(row0, NP // NS)],
                            acc_sh.at[pl.ds(row0, NP // NS)])

        def _writeback(dst_hbm_ref):
            @pl.loop(0, NWT)
            def _wb(t):
                pltpu.sync_copy(acc_sh.at[pl.ds(row0 + t * WCH, WCH)],
                                dst_hbm_ref.at[c, pl.ds(row0 + t * WCH, WCH)])

        _zero_acc()
        plsc.subcore_barrier()

        @pl.loop(0, NIG)
        def _grp(gidx):
            pltpu.sync_copy(src_hbm.at[w, gidx], src_v)
            pltpu.sync_copy(dst_hbm.at[w, gidx], dst_v)
            pltpu.async_copy(g_hbm.at[src_v.at[0]], rows0, sem0)

            @pl.loop(0, (IGB - 1) // 2)
            def _pipe(jj):
                j0 = 2 * jj
                pltpu.make_async_copy(g_hbm.at[src_v.at[0]], rows0, sem0).wait()
                pltpu.async_copy(g_hbm.at[src_v.at[j0 + 1]], rows1, sem1)
                pltpu.sync_copy(rows0, acc_sh.at[dst_v.at[j0]], add=True)
                pltpu.make_async_copy(g_hbm.at[src_v.at[0]], rows1, sem1).wait()
                pltpu.async_copy(g_hbm.at[src_v.at[j0 + 2]], rows0, sem0)
                pltpu.sync_copy(rows1, acc_sh.at[dst_v.at[j0 + 1]], add=True)

            pltpu.make_async_copy(g_hbm.at[src_v.at[0]], rows0, sem0).wait()
            pltpu.sync_copy(rows0, acc_sh.at[dst_v.at[IGB - 1]], add=True)

        plsc.subcore_barrier()
        _writeback(a_hbm)

        if with_cnt:
            @pl.loop(0, K)
            def _ob(i):
                @pl.loop(0, CONV // 16)
                def _obj(j):
                    ones_v[i, pl.ds(j * 16, 16)] = jnp.ones((16,), jnp.float32)

            plsc.subcore_barrier()
            _zero_acc()
            plsc.subcore_barrier()

            @pl.loop(0, NIG)
            def _cgrp(gidx):
                pltpu.sync_copy(dst_hbm.at[w, gidx], dst_v)

                @pl.loop(0, IGB)
                def _cstep(j):
                    pltpu.sync_copy(ones_v, acc_sh.at[dst_v.at[j]], add=True)

            plsc.subcore_barrier()
            _writeback(c_hbm)

    return pl.kernel(body, out_type=tuple(out_type), mesh=mesh,
                     scratch_types=scratch)


_agg_cnt = _make_agg(True)
_agg = _make_agg(False)


def _proj_body(x_ref, p_ref, wlx_ref, wlp_ref, wrx_ref, wrp_ref, b_ref,
               g_ref, r_ref):
    xb = x_ref[...]
    pb = p_ref[...]
    dot = functools.partial(jnp.dot, preferred_element_type=jnp.float32)
    g_ref[...] = dot(xb, wlx_ref[...]) + dot(pb, wlp_ref[...])
    r_ref[...] = dot(xb, wrx_ref[...]) + dot(pb, wrp_ref[...]) + b_ref[...]


def _proj(x, posp, wlx, wlp, wrx, wrp, b1):
    full = lambda shape: pl.BlockSpec(shape, lambda i: (0, 0))
    return pl.pallas_call(
        _proj_body,
        grid=(NB,),
        in_specs=[
            pl.BlockSpec((RB, D), lambda i: (i, 0)),
            pl.BlockSpec((RB, POSP), lambda i: (i, 0)),
            full((D, CONV)), full((POSP, CONV)),
            full((D, CONV)), full((POSP, CONV)),
            full((1, CONV)),
        ],
        out_specs=[pl.BlockSpec((RB, CONV), lambda i: (i, 0))] * 2,
        out_shape=[jax.ShapeDtypeStruct((N, CONV), jnp.float32)] * 2,
    )(x, posp, wlx, wlp, wrx, wrp, b1)


def _mid_body(a0_ref, a1_ref, c0_ref, c1_ref, r0_ref, w2l_ref, w2r_ref,
              b2_ref, g1_ref, r1_ref):
    a = a0_ref[0] + a1_ref[0]
    cnt = c0_ref[0][:, 0:1] + c1_ref[0][:, 0:1]
    h1 = jnp.maximum(a / jnp.maximum(cnt, 1.0) + r0_ref[...], 0.0)
    dot = functools.partial(jnp.dot, preferred_element_type=jnp.float32)
    g1_ref[...] = dot(h1, w2l_ref[...])
    r1_ref[...] = dot(h1, w2r_ref[...]) + b2_ref[...]


def _mid(A, C, r0, w2l, w2r, b2):
    full = lambda shape: pl.BlockSpec(shape, lambda i: (0, 0))
    return pl.pallas_call(
        _mid_body,
        grid=(NB,),
        in_specs=[
            pl.BlockSpec((1, RB, CONV), lambda i: (0, i, 0)),
            pl.BlockSpec((1, RB, CONV), lambda i: (1, i, 0)),
            pl.BlockSpec((1, RB, CONV), lambda i: (0, i, 0)),
            pl.BlockSpec((1, RB, CONV), lambda i: (1, i, 0)),
            pl.BlockSpec((RB, CONV), lambda i: (i, 0)),
            full((CONV, CONV)), full((CONV, CONV)), full((1, CONV)),
        ],
        out_specs=[pl.BlockSpec((RB, CONV), lambda i: (i, 0))] * 2,
        out_shape=[jax.ShapeDtypeStruct((N, CONV), jnp.float32)] * 2,
    )(A, A, C, C, r0, w2l, w2r, b2)


def _fin_body(b0_ref, b1_ref, c0_ref, c1_ref, r1_ref, bat_ref, wlin_ref,
              blin_ref, wout_ref, bout_ref, y_ref, p_acc):
    i = pl.program_id(0)

    @pl.when(i == 0)
    def _():
        p_acc[...] = jnp.full((G, CONV), -jnp.inf, jnp.float32)

    a = b0_ref[0] + b1_ref[0]
    cnt = c0_ref[0][:, 0:1] + c1_ref[0][:, 0:1]
    h2 = jnp.maximum(a / jnp.maximum(cnt, 1.0) + r1_ref[...], 0.0)
    bcol = bat_ref[0]

    def _grp(gidx, _):
        gf = lax.convert_element_type(gidx, jnp.float32)
        cand = jnp.max(jnp.where(bcol == gf, h2, -jnp.inf), axis=0,
                       keepdims=True)
        cur = p_acc[pl.ds(gidx, 1), :]
        p_acc[pl.ds(gidx, 1), :] = jnp.maximum(cur, cand)
        return 0
    lax.fori_loop(0, G, _grp, 0)

    @pl.when(i == NB - 1)
    def _():
        p = p_acc[...]
        p = jnp.where(jnp.isfinite(p), p, 0.0)
        dot = functools.partial(jnp.dot, preferred_element_type=jnp.float32)
        z = dot(p, wlin_ref[...]) + blin_ref[...]
        y_ref[...] = dot(z, wout_ref[...]) + bout_ref[...]


def _fin(B, C, r1, batf, wlin, blin, wout, bout):
    full = lambda shape: pl.BlockSpec(shape, lambda i: (0, 0))
    return pl.pallas_call(
        _fin_body,
        grid=(NB,),
        in_specs=[
            pl.BlockSpec((1, RB, CONV), lambda i: (0, i, 0)),
            pl.BlockSpec((1, RB, CONV), lambda i: (1, i, 0)),
            pl.BlockSpec((1, RB, CONV), lambda i: (0, i, 0)),
            pl.BlockSpec((1, RB, CONV), lambda i: (1, i, 0)),
            pl.BlockSpec((RB, CONV), lambda i: (i, 0)),
            pl.BlockSpec((1, RB, 1), lambda i: (i, 0, 0)),
            full((CONV, LIN)), full((1, LIN)),
            full((LIN, OUT)), full((1, OUT)),
        ],
        out_specs=pl.BlockSpec((G, OUT), lambda i: (0, 0)),
        out_shape=jax.ShapeDtypeStruct((G, OUT), jnp.float32),
        scratch_shapes=[pltpu.VMEM((G, CONV), jnp.float32)],
    )(B, B, C, C, r1, batf, wlin, blin, wout, bout)


def kernel(x, pos, edge_index, batch, W1l, b1l, W1r, W2l, b2l, W2r,
           Wlin, blin, Wout, bout):
    src = edge_index[0].reshape(NW, NIG, IGB, K)
    dst = edge_index[1].reshape(NW, NIG, IGB, K)
    posp = jnp.pad(pos, ((0, 0), (0, POSP - POS)))
    wpad = lambda w: jnp.pad(w[D:], ((0, POSP - POS), (0, 0)))

    z128 = jnp.zeros((NP, CONV), jnp.float32)
    g0, r0 = _proj(x, posp, W1l[:D], wpad(W1l), W1r[:D], wpad(W1r),
                   b1l.reshape(1, CONV))
    A, C = _agg_cnt(z128, src, dst, g0)
    g1, r1 = _mid(A, C, r0, W2l, W2r, b2l.reshape(1, CONV))
    (B,) = _agg(z128, src, dst, g1)
    batf = batch.astype(jnp.float32).reshape(NB, RB, 1)
    return _fin(B, C, r1, batf, Wlin, blin.reshape(1, LIN),
                Wout, bout.reshape(1, OUT))

# --- scband reference (transcript-rebuilt; emitter-appended) ---
"""Pipeline reference for scband-graph-sage-85787676771075 (READ-ONLY COPY).

The authoritative reference and input builder live on the scoring server;
editing this copy changes nothing except your own understanding.
"""

import jax, jax.numpy as jnp
import numpy as np

N = 10000
E = 320000
D = 128
POS = 3
DIN = D + POS
CONV = 128
LIN = 128
OUT = 10
G = 64


def setup_inputs(seed: int = 0) -> dict:
    key = jax.random.key(seed)
    ks = jax.random.split(key, 16)
    x = jax.random.normal(ks[0], (N, D), dtype=jnp.float32)
    pos = jax.random.normal(ks[1], (N, POS), dtype=jnp.float32)
    edge_index = jax.random.randint(ks[2], (2, E), 0, N, dtype=jnp.int32)
    batch = jnp.sort(jax.random.randint(ks[3], (N,), 0, G, dtype=jnp.int32))
    s = 0.05
    W1l = jax.random.normal(ks[4], (DIN, CONV), dtype=jnp.float32) * s
    b1l = jnp.zeros((CONV,), dtype=jnp.float32)
    W1r = jax.random.normal(ks[5], (DIN, CONV), dtype=jnp.float32) * s
    W2l = jax.random.normal(ks[6], (CONV, CONV), dtype=jnp.float32) * s
    b2l = jnp.zeros((CONV,), dtype=jnp.float32)
    W2r = jax.random.normal(ks[7], (CONV, CONV), dtype=jnp.float32) * s
    Wlin = jax.random.normal(ks[8], (CONV, LIN), dtype=jnp.float32) * s
    blin = jnp.zeros((LIN,), dtype=jnp.float32)
    Wout = jax.random.normal(ks[9], (LIN, OUT), dtype=jnp.float32) * s
    bout = jnp.zeros((OUT,), dtype=jnp.float32)
    return {"x": x, "pos": pos, "edge_index": edge_index, "batch": batch,
            "W1l": W1l, "b1l": b1l, "W1r": W1r,
            "W2l": W2l, "b2l": b2l, "W2r": W2r,
            "Wlin": Wlin, "blin": blin, "Wout": Wout, "bout": bout}


def _mean_aggr(h, src, dst, n):
    # SAGEConv mean aggregation: mean of source-node features grouped by dst
    msg_sum = jax.ops.segment_sum(h[src], dst, num_segments=n)
    cnt = jax.ops.segment_sum(jnp.ones((src.shape[0],), dtype=h.dtype), dst, num_segments=n)
    return msg_sum / jnp.maximum(cnt, 1.0)[:, None]


def reference(x, pos, edge_index, batch, W1l, b1l, W1r, W2l, b2l, W2r, Wlin, blin, Wout, bout):
    src = edge_index[0]
    dst = edge_index[1]
    h = jnp.concatenate([x, pos], axis=1)
    # SAGEConv layer 1: lin_l(mean_aggr(x_j)) + lin_r(x_i), then ReLU
    a = _mean_aggr(h, src, dst, N)
    h = jax.nn.relu(a @ W1l + b1l + h @ W1r)
    # SAGEConv layer 2
    a = _mean_aggr(h, src, dst, N)
    h = jax.nn.relu(a @ W2l + b2l + h @ W2r)
    # global_max_pool over batch ids
    p = jax.ops.segment_max(h, batch, num_segments=G)
    p = jnp.where(jnp.isfinite(p), p, 0.0)
    y = p @ Wlin + blin
    return y @ Wout + bout

if __name__ == "__main__":
    import jax
    _d = setup_inputs()
    print(jax.jit(kernel)(*tuple(_d.values())))

</pallas_src>

<mosaic_0001>
#map = affine_map<(d0, d1) -> (0, 0)>
#map1 = affine_map<(d0, d1) -> (0, 0, 0, 0)>
#map2 = affine_map<(d0, d1) -> (0, 0, 0)>
module attributes {stable_mosaic.version = 14 : i64} {
  func.func @body(%arg0: i32, %arg1: i32, %arg2: memref<10240x128xf32, #tpu.memory_space<hbm>>, %arg3: memref<32x5x25x80xi32, #tpu.memory_space<hbm>>, %arg4: memref<32x5x25x80xi32, #tpu.memory_space<hbm>>, %arg5: memref<10000x128xf32, #tpu.memory_space<hbm>>, %arg6: memref<2x10240x128xf32, #tpu.memory_space<hbm>>, %arg7: memref<2x10240x128xf32, #tpu.memory_space<hbm>>, %arg8: memref<25x80xi32, #tpu.memory_space<vmem>>, %arg9: memref<25x80xi32, #tpu.memory_space<vmem>>, %arg10: memref<80x128xf32, #tpu.memory_space<vmem>>, %arg11: memref<80x128xf32, #tpu.memory_space<vmem>>, %arg12: memref<10240x128xf32, #tpu.memory_space<vmem_shared>>, %arg13: memref<!tpu.dma_semaphore, #tpu.memory_space<semaphore_mem>>, %arg14: memref<!tpu.dma_semaphore, #tpu.memory_space<semaphore_mem>>, %arg15: memref<80x128xf32, #tpu.memory_space<vmem>>) attributes {dimension_semantics = [#tpu.dimension_semantics<core_parallel>, #tpu.dimension_semantics<subcore_parallel>], iteration_bounds = array<i64: 2, 16>, scalar_prefetch = 0 : i64, scratch_operands = 8 : i64, tpu.core_type = #tpu.core_type<sc_vector_subcore>, window_params = [{transform_indices = #map}, {transform_indices = #map1}, {transform_indices = #map1}, {transform_indices = #map}, {transform_indices = #map2}, {transform_indices = #map2}]} {
    %mul3A = arith.constant 16 : i32
    %mul3A_0 = arith.muli %arg0, %mul3A : i32
    %add3A = arith.addi %mul3A_0, %arg1 : i32
    %mul3A_1 = arith.constant 640 : i32
    %mul3A_2 = arith.muli %arg1, %mul3A_1 : i32
    "tpu.region"() ({
      %run_scoped3A = tpu.sem_alloc : memref<!tpu.dma_semaphore, #tpu.memory_space<semaphore_mem>>
      %dma_start3A = arith.constant 0 : i32
      %dma_start3A_31 = tpu.memref_slice %arg12[%mul3A_2, %dma_start3A] : memref<10240x128xf32, #tpu.memory_space<vmem_shared>> -> memref<640x128xf32, #tpu.memory_space<vmem_shared>>
      %dma_start3A_32 = arith.constant 0 : i32
      %dma_start3A_33 = tpu.memref_slice %arg2[%mul3A_2, %dma_start3A_32] : memref<10240x128xf32, #tpu.memory_space<hbm>> -> memref<640x128xf32, #tpu.memory_space<hbm>>
      tpu.enqueue_dma source(%dma_start3A_33 : memref<640x128xf32, #tpu.memory_space<hbm>>) target(%dma_start3A_31 : memref<640x128xf32, #tpu.memory_space<vmem_shared>>) target_semaphore(%run_scoped3A : memref<!tpu.dma_semaphore, #tpu.memory_space<semaphore_mem>>)
      %dma_wait3A = arith.constant 0 : i32
      %dma_wait3A_34 = tpu.memref_slice %arg12[%mul3A_2, %dma_wait3A] : memref<10240x128xf32, #tpu.memory_space<vmem_shared>> -> memref<640x128xf32, #tpu.memory_space<vmem_shared>>
      %dma_wait3A_35 = arith.constant 0 : i32
      %dma_wait3A_36 = tpu.memref_slice %arg2[%mul3A_2, %dma_wait3A_35] : memref<10240x128xf32, #tpu.memory_space<hbm>> -> memref<640x128xf32, #tpu.memory_space<hbm>>
      tpu.wait_dma2 semaphore(%run_scoped3A : memref<!tpu.dma_semaphore, #tpu.memory_space<semaphore_mem>>) src(%dma_wait3A_36 : memref<640x128xf32, #tpu.memory_space<hbm>>) dst(%dma_wait3A_34 : memref<640x128xf32, #tpu.memory_space<vmem_shared>>)
      tpu.yield
    }) : () -> ()
    %barrier3A = arith.constant 0 : index
    tpu.barrier barrier_id(%barrier3A)
    %scan3A = arith.constant 0 : i32
    %scan3A_3 = arith.constant 5 : i32
    %scan3A_4 = arith.addi %scan3A, %scan3A_3 : i32
    %scan3A_5 = arith.constant 1 : i32
    scf.for %scan3A_31 = %scan3A to %scan3A_4 step %scan3A_5  : i32 {
      %mul3A_32 = arith.constant 1 : i32
      %mul3A_33 = arith.muli %scan3A_31, %mul3A_32 : i32
      %add3A_34 = arith.constant 0 : i32
      %add3A_35 = arith.addi %add3A_34, %mul3A_33 : i32
      "tpu.region"() ({
        %run_scoped3A_53 = tpu.sem_alloc : memref<!tpu.dma_semaphore, #tpu.memory_space<semaphore_mem>>
        %dma_start3A_54 = arith.constant 0 : i32
        %dma_start3A_55 = arith.constant 0 : i32
        %dma_start3A_56 = tpu.memref_slice %arg3[%add3A, %add3A_35, %dma_start3A_54, %dma_start3A_55] : memref<32x5x25x80xi32, #tpu.memory_space<hbm>> -> memref<1x1x25x80xi32, #tpu.memory_space<hbm>>
        %dma_start3A_57 = tpu.memref_squeeze %dma_start3A_56 : memref<1x1x25x80xi32, #tpu.memory_space<hbm>> -> memref<25x80xi32, #tpu.memory_space<hbm>>
        %dma_start3A_58 = arith.constant 0 : i32
        %dma_start3A_59 = arith.constant 0 : i32
        %dma_start3A_60 = tpu.memref_slice %arg3[%add3A, %add3A_35, %dma_start3A_58, %dma_start3A_59] : memref<32x5x25x80xi32, #tpu.memory_space<hbm>> -> memref<1x1x25x80xi32, #tpu.memory_space<hbm>>
        %dma_start3A_61 = tpu.memref_squeeze %dma_start3A_60 : memref<1x1x25x80xi32, #tpu.memory_space<hbm>> -> memref<25x80xi32, #tpu.memory_space<hbm>>
        tpu.enqueue_dma source(%dma_start3A_61 : memref<25x80xi32, #tpu.memory_space<hbm>>) target(%arg8 : memref<25x80xi32, #tpu.memory_space<vmem>>) target_semaphore(%run_scoped3A_53 : memref<!tpu.dma_semaphore, #tpu.memory_space<semaphore_mem>>)
        %dma_wait3A_62 = arith.constant 0 : i32
        %dma_wait3A_63 = arith.constant 0 : i32
        %dma_wait3A_64 = tpu.memref_slice %arg3[%add3A, %add3A_35, %dma_wait3A_62, %dma_wait3A_63] : memref<32x5x25x80xi32, #tpu.memory_space<hbm>> -> memref<1x1x25x80xi32, #tpu.memory_space<hbm>>
        %dma_wait3A_65 = tpu.memref_squeeze %dma_wait3A_64 : memref<1x1x25x80xi32, #tpu.memory_space<hbm>> -> memref<25x80xi32, #tpu.memory_space<hbm>>
        %dma_wait3A_66 = arith.constant 0 : i32
        %dma_wait3A_67 = arith.constant 0 : i32
        %dma_wait3A_68 = tpu.memref_slice %arg3[%add3A, %add3A_35, %dma_wait3A_66, %dma_wait3A_67] : memref<32x5x25x80xi32, #tpu.memory_space<hbm>> -> memref<1x1x25x80xi32, #tpu.memory_space<hbm>>
        %dma_wait3A_69 = tpu.memref_squeeze %dma_wait3A_68 : memref<1x1x25x80xi32, #tpu.memory_space<hbm>> -> memref<25x80xi32, #tpu.memory_space<hbm>>
        tpu.wait_dma2 semaphore(%run_scoped3A_53 : memref<!tpu.dma_semaphore, #tpu.memory_space<semaphore_mem>>) src(%dma_wait3A_69 : memref<25x80xi32, #tpu.memory_space<hbm>>) dst(%arg8 : memref<25x80xi32, #tpu.memory_space<vmem>>)
        tpu.yield
      }) : () -> ()
      "tpu.region"() ({
        %run_scoped3A_53 = tpu.sem_alloc : memref<!tpu.dma_semaphore, #tpu.memory_space<semaphore_mem>>
        %dma_start3A_54 = arith.constant 0 : i32
        %dma_start3A_55 = arith.constant 0 : i32
        %dma_start3A_56 = tpu.memref_slice %arg4[%add3A, %add3A_35, %dma_start3A_54, %dma_start3A_55] : memref<32x5x25x80xi32, #tpu.memory_space<hbm>> -> memref<1x1x25x80xi32, #tpu.memory_space<hbm>>
        %dma_start3A_57 = tpu.memref_squeeze %dma_start3A_56 : memref<1x1x25x80xi32, #tpu.memory_space<hbm>> -> memref<25x80xi32, #tpu.memory_space<hbm>>
        %dma_start3A_58 = arith.constant 0 : i32
        %dma_start3A_59 = arith.constant 0 : i32
        %dma_start3A_60 = tpu.memref_slice %arg4[%add3A, %add3A_35, %dma_start3A_58, %dma_start3A_59] : memref<32x5x25x80xi32, #tpu.memory_space<hbm>> -> memref<1x1x25x80xi32, #tpu.memory_space<hbm>>
        %dma_start3A_61 = tpu.memref_squeeze %dma_start3A_60 : memref<1x1x25x80xi32, #tpu.memory_space<hbm>> -> memref<25x80xi32, #tpu.memory_space<hbm>>
        tpu.enqueue_dma source(%dma_start3A_61 : memref<25x80xi32, #tpu.memory_space<hbm>>) target(%arg9 : memref<25x80xi32, #tpu.memory_space<vmem>>) target_semaphore(%run_scoped3A_53 : memref<!tpu.dma_semaphore, #tpu.memory_space<semaphore_mem>>)
        %dma_wait3A_62 = arith.constant 0 : i32
        %dma_wait3A_63 = arith.constant 0 : i32
        %dma_wait3A_64 = tpu.memref_slice %arg4[%add3A, %add3A_35, %dma_wait3A_62, %dma_wait3A_63] : memref<32x5x25x80xi32, #tpu.memory_space<hbm>> -> memref<1x1x25x80xi32, #tpu.memory_space<hbm>>
        %dma_wait3A_65 = tpu.memref_squeeze %dma_wait3A_64 : memref<1x1x25x80xi32, #tpu.memory_space<hbm>> -> memref<25x80xi32, #tpu.memory_space<hbm>>
        %dma_wait3A_66 = arith.constant 0 : i32
        %dma_wait3A_67 = arith.constant 0 : i32
        %dma_wait3A_68 = tpu.memref_slice %arg4[%add3A, %add3A_35, %dma_wait3A_66, %dma_wait3A_67] : memref<32x5x25x80xi32, #tpu.memory_space<hbm>> -> memref<1x1x25x80xi32, #tpu.memory_space<hbm>>
        %dma_wait3A_69 = tpu.memref_squeeze %dma_wait3A_68 : memref<1x1x25x80xi32, #tpu.memory_space<hbm>> -> memref<25x80xi32, #tpu.memory_space<hbm>>
        tpu.wait_dma2 semaphore(%run_scoped3A_53 : memref<!tpu.dma_semaphore, #tpu.memory_space<semaphore_mem>>) src(%dma_wait3A_69 : memref<25x80xi32, #tpu.memory_space<hbm>>) dst(%arg9 : memref<25x80xi32, #tpu.memory_space<vmem>>)
        tpu.yield
      }) : () -> ()
      %dma_start3A = arith.constant 0 : i32
      %dma_start3A_36 = arith.constant 0 : i32
      %dma_start3A_37 = tpu.memref_slice %arg8[%dma_start3A, %dma_start3A_36] : memref<25x80xi32, #tpu.memory_space<vmem>> -> memref<1x80xi32, #tpu.memory_space<vmem>>
      %dma_start3A_38 = tpu.memref_squeeze %dma_start3A_37 : memref<1x80xi32, #tpu.memory_space<vmem>> -> memref<80xi32, #tpu.memory_space<vmem>>
      %dma_start3A_39 = arith.constant 0 : i32
      %dma_start3A_40 = arith.constant 0 : i32
      %dma_start3A_41 = tpu.memref_slice %arg5[%dma_start3A_39, %dma_start3A_40] : memref<10000x128xf32, #tpu.memory_space<hbm>> -> memref<10000x128xf32, #tpu.memory_space<hbm>>
      tpu.enqueue_indirect_dma source(%dma_start3A_41 : memref<10000x128xf32, #tpu.memory_space<hbm>>) target(%arg10 : memref<80x128xf32, #tpu.memory_space<vmem>>) offsets(%dma_start3A_38 : memref<80xi32, #tpu.memory_space<vmem>>) semaphore(%arg13 : memref<!tpu.dma_semaphore, #tpu.memory_space<semaphore_mem>>)
      %scan3A_42 = arith.constant 0 : i32
      %scan3A_43 = arith.constant 12 : i32
      %scan3A_44 = arith.addi %scan3A_42, %scan3A_43 : i32
      %scan3A_45 = arith.constant 1 : i32
      scf.for %scan3A_53 = %scan3A_42 to %scan3A_44 step %scan3A_45  : i32 {
        %mul3A_54 = arith.constant 1 : i32
        %mul3A_55 = arith.muli %scan3A_53, %mul3A_54 : i32
        %add3A_56 = arith.constant 0 : i32
        %add3A_57 = arith.addi %add3A_56, %mul3A_55 : i32
        %mul3A_58 = arith.constant 2 : i32
        %mul3A_59 = arith.muli %mul3A_58, %add3A_57 : i32
        %dma_wait3A_60 = arith.constant 0 : i32
        %dma_wait3A_61 = arith.constant 0 : i32
        %dma_wait3A_62 = tpu.memref_slice %arg8[%dma_wait3A_60, %dma_wait3A_61] : memref<25x80xi32, #tpu.memory_space<vmem>> -> memref<1x80xi32, #tpu.memory_space<vmem>>
        %dma_wait3A_63 = tpu.memref_squeeze %dma_wait3A_62 : memref<1x80xi32, #tpu.memory_space<vmem>> -> memref<80xi32, #tpu.memory_space<vmem>>
        %dma_wait3A_64 = arith.constant 0 : i32
        %dma_wait3A_65 = arith.constant 0 : i32
        %dma_wait3A_66 = tpu.memref_slice %arg5[%dma_wait3A_64, %dma_wait3A_65] : memref<10000x128xf32, #tpu.memory_space<hbm>> -> memref<10000x128xf32, #tpu.memory_space<hbm>>
        tpu.wait_indirect_dma semaphore(%arg13 : memref<!tpu.dma_semaphore, #tpu.memory_space<semaphore_mem>>) src(%dma_wait3A_66 : memref<10000x128xf32, #tpu.memory_space<hbm>>) dst(%arg10 : memref<80x128xf32, #tpu.memory_space<vmem>>)
        %add3A_67 = arith.constant 1 : i32
        %add3A_68 = arith.addi %mul3A_59, %add3A_67 : i32
        %dma_start3A_69 = arith.constant 0 : i32
        %dma_start3A_70 = tpu.memref_slice %arg8[%add3A_68, %dma_start3A_69] : memref<25x80xi32, #tpu.memory_space<vmem>> -> memref<1x80xi32, #tpu.memory_space<vmem>>
        %dma_start3A_71 = tpu.memref_squeeze %dma_start3A_70 : memref<1x80xi32, #tpu.memory_space<vmem>> -> memref<80xi32, #tpu.memory_space<vmem>>
        %dma_start3A_72 = arith.constant 0 : i32
        %dma_start3A_73 = arith.constant 0 : i32
        %dma_start3A_74 = tpu.memref_slice %arg5[%dma_start3A_72, %dma_start3A_73] : memref<10000x128xf32, #tpu.memory_space<hbm>> -> memref<10000x128xf32, #tpu.memory_space<hbm>>
        tpu.enqueue_indirect_dma source(%dma_start3A_74 : memref<10000x128xf32, #tpu.memory_space<hbm>>) target(%arg11 : memref<80x128xf32, #tpu.memory_space<vmem>>) offsets(%dma_start3A_71 : memref<80xi32, #tpu.memory_space<vmem>>) semaphore(%arg14 : memref<!tpu.dma_semaphore, #tpu.memory_space<semaphore_mem>>)
        "tpu.region"() ({
          %run_scoped3A_92 = tpu.sem_alloc : memref<!tpu.dma_semaphore, #tpu.memory_space<semaphore_mem>>
          %dma_start3A_93 = arith.constant 0 : i32
          %dma_start3A_94 = tpu.memref_slice %arg9[%mul3A_59, %dma_start3A_93] : memref<25x80xi32, #tpu.memory_space<vmem>> -> memref<1x80xi32, #tpu.memory_space<vmem>>
          %dma_start3A_95 = tpu.memref_squeeze %dma_start3A_94 : memref<1x80xi32, #tpu.memory_space<vmem>> -> memref<80xi32, #tpu.memory_space<vmem>>
          %dma_start3A_96 = arith.constant 0 : i32
          %dma_start3A_97 = arith.constant 0 : i32
          %dma_start3A_98 = tpu.memref_slice %arg12[%dma_start3A_96, %dma_start3A_97] : memref<10240x128xf32, #tpu.memory_space<vmem_shared>> -> memref<10240x128xf32, #tpu.memory_space<vmem_shared>>
          tpu.enqueue_indirect_dma source(%arg10 : memref<80x128xf32, #tpu.memory_space<vmem>>) target(%dma_start3A_98 : memref<10240x128xf32, #tpu.memory_space<vmem_shared>>) offsets(%dma_start3A_95 : memref<80xi32, #tpu.memory_space<vmem>>) semaphore(%run_scoped3A_92 : memref<!tpu.dma_semaphore, #tpu.memory_space<semaphore_mem>>) {add = true}
          %dma_wait3A_99 = arith.constant 0 : i32
          %dma_wait3A_100 = tpu.memref_slice %arg9[%mul3A_59, %dma_wait3A_99] : memref<25x80xi32, #tpu.memory_space<vmem>> -> memref<1x80xi32, #tpu.memory_space<vmem>>
          %dma_wait3A_101 = tpu.memref_squeeze %dma_wait3A_100 : memref<1x80xi32, #tpu.memory_space<vmem>> -> memref<80xi32, #tpu.memory_space<vmem>>
          %dma_wait3A_102 = arith.constant 0 : i32
          %dma_wait3A_103 = arith.constant 0 : i32
          %dma_wait3A_104 = tpu.memref_slice %arg12[%dma_wait3A_102, %dma_wait3A_103] : memref<10240x128xf32, #tpu.memory_space<vmem_shared>> -> memref<10240x128xf32, #tpu.memory_space<vmem_shared>>
          tpu.wait_indirect_dma semaphore(%run_scoped3A_92 : memref<!tpu.dma_semaphore, #tpu.memory_space<semaphore_mem>>) src(%arg10 : memref<80x128xf32, #tpu.memory_space<vmem>>) dst(%dma_wait3A_104 : memref<10240x128xf32, #tpu.memory_space<vmem_shared>>)
          tpu.yield
        }) : () -> ()
        %dma_wait3A_75 = arith.constant 0 : i32
        %dma_wait3A_76 = arith.constant 0 : i32
        %dma_wait3A_77 = tpu.memref_slice %arg8[%dma_wait3A_75, %dma_wait3A_76] : memref<25x80xi32, #tpu.memory_space<vmem>> -> memref<1x80xi32, #tpu.memory_space<vmem>>
        %dma_wait3A_78 = tpu.memref_squeeze %dma_wait3A_77 : memref<1x80xi32, #tpu.memory_space<vmem>> -> memref<80xi32, #tpu.memory_space<vmem>>
        %dma_wait3A_79 = arith.constant 0 : i32
        %dma_wait3A_80 = arith.constant 0 : i32
        %dma_wait3A_81 = tpu.memref_slice %arg5[%dma_wait3A_79, %dma_wait3A_80] : memref<10000x128xf32, #tpu.memory_space<hbm>> -> memref<10000x128xf32, #tpu.memory_space<hbm>>
        tpu.wait_indirect_dma semaphore(%arg14 : memref<!tpu.dma_semaphore, #tpu.memory_space<semaphore_mem>>) src(%dma_wait3A_81 : memref<10000x128xf32, #tpu.memory_space<hbm>>) dst(%arg11 : memref<80x128xf32, #tpu.memory_space<vmem>>)
        %add3A_82 = arith.constant 2 : i32
        %add3A_83 = arith.addi %mul3A_59, %add3A_82 : i32
        %dma_start3A_84 = arith.constant 0 : i32
        %dma_start3A_85 = tpu.memref_slice %arg8[%add3A_83, %dma_start3A_84] : memref<25x80xi32, #tpu.memory_space<vmem>> -> memref<1x80xi32, #tpu.memory_space<vmem>>
        %dma_start3A_86 = tpu.memref_squeeze %dma_start3A_85 : memref<1x80xi32, #tpu.memory_space<vmem>> -> memref<80xi32, #tpu.memory_space<vmem>>
        %dma_start3A_87 = arith.constant 0 : i32
        %dma_start3A_88 = arith.constant 0 : i32
        %dma_start3A_89 = tpu.memref_slice %arg5[%dma_start3A_87, %dma_start3A_88] : memref<10000x128xf32, #tpu.memory_space<hbm>> -> memref<10000x128xf32, #tpu.memory_space<hbm>>
        tpu.enqueue_indirect_dma source(%dma_start3A_89 : memref<10000x128xf32, #tpu.memory_space<hbm>>) target(%arg10 : memref<80x128xf32, #tpu.memory_space<vmem>>) offsets(%dma_start3A_86 : memref<80xi32, #tpu.memory_space<vmem>>) semaphore(%arg13 : memref<!tpu.dma_semaphore, #tpu.memory_space<semaphore_mem>>)
        %add3A_90 = arith.constant 1 : i32
        %add3A_91 = arith.addi %mul3A_59, %add3A_90 : i32
        "tpu.region"() ({
          %run_scoped3A_92 = tpu.sem_alloc : memref<!tpu.dma_semaphore, #tpu.memory_space<semaphore_mem>>
          %dma_start3A_93 = arith.constant 0 : i32
          %dma_start3A_94 = tpu.memref_slice %arg9[%add3A_91, %dma_start3A_93] : memref<25x80xi32, #tpu.memory_space<vmem>> -> memref<1x80xi32, #tpu.memory_space<vmem>>
          %dma_start3A_95 = tpu.memref_squeeze %dma_start3A_94 : memref<1x80xi32, #tpu.memory_space<vmem>> -> memref<80xi32, #tpu.memory_space<vmem>>
          %dma_start3A_96 = arith.constant 0 : i32
          %dma_start3A_97 = arith.constant 0 : i32
          %dma_start3A_98 = tpu.memref_slice %arg12[%dma_start3A_96, %dma_start3A_97] : memref<10240x128xf32, #tpu.memory_space<vmem_shared>> -> memref<10240x128xf32, #tpu.memory_space<vmem_shared>>
          tpu.enqueue_indirect_dma source(%arg11 : memref<80x128xf32, #tpu.memory_space<vmem>>) target(%dma_start3A_98 : memref<10240x128xf32, #tpu.memory_space<vmem_shared>>) offsets(%dma_start3A_95 : memref<80xi32, #tpu.memory_space<vmem>>) semaphore(%run_scoped3A_92 : memref<!tpu.dma_semaphore, #tpu.memory_space<semaphore_mem>>) {add = true}
          %dma_wait3A_99 = arith.constant 0 : i32
          %dma_wait3A_100 = tpu.memref_slice %arg9[%add3A_91, %dma_wait3A_99] : memref<25x80xi32, #tpu.memory_space<vmem>> -> memref<1x80xi32, #tpu.memory_space<vmem>>
          %dma_wait3A_101 = tpu.memref_squeeze %dma_wait3A_100 : memref<1x80xi32, #tpu.memory_space<vmem>> -> memref<80xi32, #tpu.memory_space<vmem>>
          %dma_wait3A_102 = arith.constant 0 : i32
          %dma_wait3A_103 = arith.constant 0 : i32
          %dma_wait3A_104 = tpu.memref_slice %arg12[%dma_wait3A_102, %dma_wait3A_103] : memref<10240x128xf32, #tpu.memory_space<vmem_shared>> -> memref<10240x128xf32, #tpu.memory_space<vmem_shared>>
          tpu.wait_indirect_dma semaphore(%run_scoped3A_92 : memref<!tpu.dma_semaphore, #tpu.memory_space<semaphore_mem>>) src(%arg11 : memref<80x128xf32, #tpu.memory_space<vmem>>) dst(%dma_wait3A_104 : memref<10240x128xf32, #tpu.memory_space<vmem_shared>>)
          tpu.yield
        }) : () -> ()
      }
      %scan3A_46 = arith.constant 12 : i32
      %dma_wait3A = arith.constant 0 : i32
      %dma_wait3A_47 = arith.constant 0 : i32
      %dma_wait3A_48 = tpu.memref_slice %arg8[%dma_wait3A, %dma_wait3A_47] : memref<25x80xi32, #tpu.memory_space<vmem>> -> memref<1x80xi32, #tpu.memory_space<vmem>>
      %dma_wait3A_49 = tpu.memref_squeeze %dma_wait3A_48 : memref<1x80xi32, #tpu.memory_space<vmem>> -> memref<80xi32, #tpu.memory_space<vmem>>
      %dma_wait3A_50 = arith.constant 0 : i32
      %dma_wait3A_51 = arith.constant 0 : i32
      %dma_wait3A_52 = tpu.memref_slice %arg5[%dma_wait3A_50, %dma_wait3A_51] : memref<10000x128xf32, #tpu.memory_space<hbm>> -> memref<10000x128xf32, #tpu.memory_space<hbm>>
      tpu.wait_indirect_dma semaphore(%arg13 : memref<!tpu.dma_semaphore, #tpu.memory_space<semaphore_mem>>) src(%dma_wait3A_52 : memref<10000x128xf32, #tpu.memory_space<hbm>>) dst(%arg10 : memref<80x128xf32, #tpu.memory_space<vmem>>)
      %run_scoped3A = arith.constant 24 : i32
      "tpu.region"() ({
        %run_scoped3A_53 = tpu.sem_alloc : memref<!tpu.dma_semaphore, #tpu.memory_space<semaphore_mem>>
        %dma_start3A_54 = arith.constant 0 : i32
        %dma_start3A_55 = tpu.memref_slice %arg9[%run_scoped3A, %dma_start3A_54] : memref<25x80xi32, #tpu.memory_space<vmem>> -> memref<1x80xi32, #tpu.memory_space<vmem>>
        %dma_start3A_56 = tpu.memref_squeeze %dma_start3A_55 : memref<1x80xi32, #tpu.memory_space<vmem>> -> memref<80xi32, #tpu.memory_space<vmem>>
        %dma_start3A_57 = arith.constant 0 : i32
        %dma_start3A_58 = arith.constant 0 : i32
        %dma_start3A_59 = tpu.memref_slice %arg12[%dma_start3A_57, %dma_start3A_58] : memref<10240x128xf32, #tpu.memory_space<vmem_shared>> -> memref<10240x128xf32, #tpu.memory_space<vmem_shared>>
        tpu.enqueue_indirect_dma source(%arg10 : memref<80x128xf32, #tpu.memory_space<vmem>>) target(%dma_start3A_59 : memref<10240x128xf32, #tpu.memory_space<vmem_shared>>) offsets(%dma_start3A_56 : memref<80xi32, #tpu.memory_space<vmem>>) semaphore(%run_scoped3A_53 : memref<!tpu.dma_semaphore, #tpu.memory_space<semaphore_mem>>) {add = true}
        %dma_wait3A_60 = arith.constant 0 : i32
        %dma_wait3A_61 = tpu.memref_slice %arg9[%run_scoped3A, %dma_wait3A_60] : memref<25x80xi32, #tpu.memory_space<vmem>> -> memref<1x80xi32, #tpu.memory_space<vmem>>
        %dma_wait3A_62 = tpu.memref_squeeze %dma_wait3A_61 : memref<1x80xi32, #tpu.memory_space<vmem>> -> memref<80xi32, #tpu.memory_space<vmem>>
        %dma_wait3A_63 = arith.constant 0 : i32
        %dma_wait3A_64 = arith.constant 0 : i32
        %dma_wait3A_65 = tpu.memref_slice %arg12[%dma_wait3A_63, %dma_wait3A_64] : memref<10240x128xf32, #tpu.memory_space<vmem_shared>> -> memref<10240x128xf32, #tpu.memory_space<vmem_shared>>
        tpu.wait_indirect_dma semaphore(%run_scoped3A_53 : memref<!tpu.dma_semaphore, #tpu.memory_space<semaphore_mem>>) src(%arg10 : memref<80x128xf32, #tpu.memory_space<vmem>>) dst(%dma_wait3A_65 : memref<10240x128xf32, #tpu.memory_space<vmem_shared>>)
        tpu.yield
      }) : () -> ()
    }
    %scan3A_6 = arith.constant 5 : i32
    %barrier3A_7 = arith.constant 0 : index
    tpu.barrier barrier_id(%barrier3A_7)
    %scan3A_8 = arith.constant 0 : i32
    %scan3A_9 = arith.constant 5 : i32
    %scan3A_10 = arith.addi %scan3A_8, %scan3A_9 : i32
    %scan3A_11 = arith.constant 1 : i32
    scf.for %scan3A_31 = %scan3A_8 to %scan3A_10 step %scan3A_11  : i32 {
      %mul3A_32 = arith.constant 1 : i32
      %mul3A_33 = arith.muli %scan3A_31, %mul3A_32 : i32
      %add3A_34 = arith.constant 0 : i32
      %add3A_35 = arith.addi %add3A_34, %mul3A_33 : i32
      %mul3A_36 = arith.constant 128 : i32
      %mul3A_37 = arith.muli %add3A_35, %mul3A_36 : i32
      %add3A_38 = arith.addi %mul3A_2, %mul3A_37 : i32
      %mul3A_39 = arith.constant 128 : i32
      %mul3A_40 = arith.muli %add3A_35, %mul3A_39 : i32
      %add3A_41 = arith.addi %mul3A_2, %mul3A_40 : i32
      "tpu.region"() ({
        %run_scoped3A = tpu.sem_alloc : memref<!tpu.dma_semaphore, #tpu.memory_space<semaphore_mem>>
        %dma_start3A = arith.constant 0 : i32
        %dma_start3A_42 = tpu.memref_slice %arg6[%arg0, %add3A_41, %dma_start3A] : memref<2x10240x128xf32, #tpu.memory_space<hbm>> -> memref<1x128x128xf32, #tpu.memory_space<hbm>>
        %dma_start3A_43 = tpu.memref_squeeze %dma_start3A_42 : memref<1x128x128xf32, #tpu.memory_space<hbm>> -> memref<128x128xf32, #tpu.memory_space<hbm>>
        %dma_start3A_44 = arith.constant 0 : i32
        %dma_start3A_45 = tpu.memref_slice %arg12[%add3A_38, %dma_start3A_44] : memref<10240x128xf32, #tpu.memory_space<vmem_shared>> -> memref<128x128xf32, #tpu.memory_space<vmem_shared>>
        tpu.enqueue_dma source(%dma_start3A_45 : memref<128x128xf32, #tpu.memory_space<vmem_shared>>) target(%dma_start3A_43 : memref<128x128xf32, #tpu.memory_space<hbm>>) target_semaphore(%run_scoped3A : memref<!tpu.dma_semaphore, #tpu.memory_space<semaphore_mem>>)
        %dma_wait3A = arith.constant 0 : i32
        %dma_wait3A_46 = tpu.memref_slice %arg6[%arg0, %add3A_41, %dma_wait3A] : memref<2x10240x128xf32, #tpu.memory_space<hbm>> -> memref<1x128x128xf32, #tpu.memory_space<hbm>>
        %dma_wait3A_47 = tpu.memref_squeeze %dma_wait3A_46 : memref<1x128x128xf32, #tpu.memory_space<hbm>> -> memref<128x128xf32, #tpu.memory_space<hbm>>
        %dma_wait3A_48 = arith.constant 0 : i32
        %dma_wait3A_49 = tpu.memref_slice %arg12[%add3A_38, %dma_wait3A_48] : memref<10240x128xf32, #tpu.memory_space<vmem_shared>> -> memref<128x128xf32, #tpu.memory_space<vmem_shared>>
        tpu.wait_dma2 semaphore(%run_scoped3A : memref<!tpu.dma_semaphore, #tpu.memory_space<semaphore_mem>>) src(%dma_wait3A_49 : memref<128x128xf32, #tpu.memory_space<vmem_shared>>) dst(%dma_wait3A_47 : memref<128x128xf32, #tpu.memory_space<hbm>>)
        tpu.yield
      }) : () -> ()
    }
    %scan3A_12 = arith.constant 5 : i32
    %scan3A_13 = arith.constant 0 : i32
    %scan3A_14 = arith.constant 80 : i32
    %scan3A_15 = arith.addi %scan3A_13, %scan3A_14 : i32
    %scan3A_16 = arith.constant 1 : i32
    scf.for %scan3A_31 = %scan3A_13 to %scan3A_15 step %scan3A_16  : i32 {
      %mul3A_32 = arith.constant 1 : i32
      %mul3A_33 = arith.muli %scan3A_31, %mul3A_32 : i32
      %add3A_34 = arith.constant 0 : i32
      %add3A_35 = arith.addi %add3A_34, %mul3A_33 : i32
      %scan3A_36 = arith.constant 0 : i32
      %scan3A_37 = arith.constant 8 : i32
      %scan3A_38 = arith.addi %scan3A_36, %scan3A_37 : i32
      %scan3A_39 = arith.constant 1 : i32
      scf.for %scan3A_41 = %scan3A_36 to %scan3A_38 step %scan3A_39  : i32 {
        %mul3A_42 = arith.constant 1 : i32
        %mul3A_43 = arith.muli %scan3A_41, %mul3A_42 : i32
        %add3A_44 = arith.constant 0 : i32
        %add3A_45 = arith.addi %add3A_44, %mul3A_43 : i32
        %broadcast_in_dim3A = arith.constant 1.000000e+00 : f32
        %broadcast_in_dim3A_46 = vector.broadcast %broadcast_in_dim3A : f32 to vector<16xf32>
        %mul3A_47 = arith.constant 16 : i32
        %mul3A_48 = arith.muli %add3A_45, %mul3A_47 : i32
        %swap3A = arith.index_cast %add3A_35 : i32 to index
        %swap3A_49 = arith.index_cast %mul3A_48 : i32 to index
        %swap3A_50 = tpu.vector_load %arg15[%swap3A, %swap3A_49] {strides = array<i32>} : memref<80x128xf32, #tpu.memory_space<vmem>>, vector<1x16xf32>,
        %swap3A_51 = vector.shape_cast %swap3A_50 : vector<1x16xf32> to vector<16xf32>
        %swap3A_52 = vector.shape_cast %broadcast_in_dim3A_46 : vector<16xf32> to vector<1x16xf32>
        tpu.vector_store %arg15[%swap3A, %swap3A_49], %swap3A_52 {strides = array<i32>} : memref<80x128xf32, #tpu.memory_space<vmem>>, vector<1x16xf32>,
      }
      %scan3A_40 = arith.constant 8 : i32
    }
    %scan3A_17 = arith.constant 80 : i32
    %barrier3A_18 = arith.constant 0 : index
    tpu.barrier barrier_id(%barrier3A_18)
    "tpu.region"() ({
      %run_scoped3A = tpu.sem_alloc : memref<!tpu.dma_semaphore, #tpu.memory_space<semaphore_mem>>
      %dma_start3A = arith.constant 0 : i32
      %dma_start3A_31 = tpu.memref_slice %arg12[%mul3A_2, %dma_start3A] : memref<10240x128xf32, #tpu.memory_space<vmem_shared>> -> memref<640x128xf32, #tpu.memory_space<vmem_shared>>
      %dma_start3A_32 = arith.constant 0 : i32
      %dma_start3A_33 = tpu.memref_slice %arg2[%mul3A_2, %dma_start3A_32] : memref<10240x128xf32, #tpu.memory_space<hbm>> -> memref<640x128xf32, #tpu.memory_space<hbm>>
      tpu.enqueue_dma source(%dma_start3A_33 : memref<640x128xf32, #tpu.memory_space<hbm>>) target(%dma_start3A_31 : memref<640x128xf32, #tpu.memory_space<vmem_shared>>) target_semaphore(%run_scoped3A : memref<!tpu.dma_semaphore, #tpu.memory_space<semaphore_mem>>)
      %dma_wait3A = arith.constant 0 : i32
      %dma_wait3A_34 = tpu.memref_slice %arg12[%mul3A_2, %dma_wait3A] : memref<10240x128xf32, #tpu.memory_space<vmem_shared>> -> memref<640x128xf32, #tpu.memory_space<vmem_shared>>
      %dma_wait3A_35 = arith.constant 0 : i32
      %dma_wait3A_36 = tpu.memref_slice %arg2[%mul3A_2, %dma_wait3A_35] : memref<10240x128xf32, #tpu.memory_space<hbm>> -> memref<640x128xf32, #tpu.memory_space<hbm>>
      tpu.wait_dma2 semaphore(%run_scoped3A : memref<!tpu.dma_semaphore, #tpu.memory_space<semaphore_mem>>) src(%dma_wait3A_36 : memref<640x128xf32, #tpu.memory_space<hbm>>) dst(%dma_wait3A_34 : memref<640x128xf32, #tpu.memory_space<vmem_shared>>)
      tpu.yield
    }) : () -> ()
    %barrier3A_19 = arith.constant 0 : index
    tpu.barrier barrier_id(%barrier3A_19)
    %scan3A_20 = arith.constant 0 : i32
    %scan3A_21 = arith.constant 5 : i32
    %scan3A_22 = arith.addi %scan3A_20, %scan3A_21 : i32
    %scan3A_23 = arith.constant 1 : i32
    scf.for %scan3A_31 = %scan3A_20 to %scan3A_22 step %scan3A_23  : i32 {
      %mul3A_32 = arith.constant 1 : i32
      %mul3A_33 = arith.muli %scan3A_31, %mul3A_32 : i32
      %add3A_34 = arith.constant 0 : i32
      %add3A_35 = arith.addi %add3A_34, %mul3A_33 : i32
      "tpu.region"() ({
        %run_scoped3A = tpu.sem_alloc : memref<!tpu.dma_semaphore, #tpu.memory_space<semaphore_mem>>
        %dma_start3A = arith.constant 0 : i32
        %dma_start3A_41 = arith.constant 0 : i32
        %dma_start3A_42 = tpu.memref_slice %arg4[%add3A, %add3A_35, %dma_start3A, %dma_start3A_41] : memref<32x5x25x80xi32, #tpu.memory_space<hbm>> -> memref<1x1x25x80xi32, #tpu.memory_space<hbm>>
        %dma_start3A_43 = tpu.memref_squeeze %dma_start3A_42 : memref<1x1x25x80xi32, #tpu.memory_space<hbm>> -> memref<25x80xi32, #tpu.memory_space<hbm>>
        %dma_start3A_44 = arith.constant 0 : i32
        %dma_start3A_45 = arith.constant 0 : i32
        %dma_start3A_46 = tpu.memref_slice %arg4[%add3A, %add3A_35, %dma_start3A_44, %dma_start3A_45] : memref<32x5x25x80xi32, #tpu.memory_space<hbm>> -> memref<1x1x25x80xi32, #tpu.memory_space<hbm>>
        %dma_start3A_47 = tpu.memref_squeeze %dma_start3A_46 : memref<1x1x25x80xi32, #tpu.memory_space<hbm>> -> memref<25x80xi32, #tpu.memory_space<hbm>>
        tpu.enqueue_dma source(%dma_start3A_47 : memref<25x80xi32, #tpu.memory_space<hbm>>) target(%arg9 : memref<25x80xi32, #tpu.memory_space<vmem>>) target_semaphore(%run_scoped3A : memref<!tpu.dma_semaphore, #tpu.memory_space<semaphore_mem>>)
        %dma_wait3A = arith.constant 0 : i32
        %dma_wait3A_48 = arith.constant 0 : i32
        %dma_wait3A_49 = tpu.memref_slice %arg4[%add3A, %add3A_35, %dma_wait3A, %dma_wait3A_48] : memref<32x5x25x80xi32, #tpu.memory_space<hbm>> -> memref<1x1x25x80xi32, #tpu.memory_space<hbm>>
        %dma_wait3A_50 = tpu.memref_squeeze %dma_wait3A_49 : memref<1x1x25x80xi32, #tpu.memory_space<hbm>> -> memref<25x80xi32, #tpu.memory_space<hbm>>
        %dma_wait3A_51 = arith.constant 0 : i32
        %dma_wait3A_52 = arith.constant 0 : i32
        %dma_wait3A_53 = tpu.memref_slice %arg4[%add3A, %add3A_35, %dma_wait3A_51, %dma_wait3A_52] : memref<32x5x25x80xi32, #tpu.memory_space<hbm>> -> memref<1x1x25x80xi32, #tpu.memory_space<hbm>>
        %dma_wait3A_54 = tpu.memref_squeeze %dma_wait3A_53 : memref<1x1x25x80xi32, #tpu.memory_space<hbm>> -> memref<25x80xi32, #tpu.memory_space<hbm>>
        tpu.wait_dma2 semaphore(%run_scoped3A : memref<!tpu.dma_semaphore, #tpu.memory_space<semaphore_mem>>) src(%dma_wait3A_54 : memref<25x80xi32, #tpu.memory_space<hbm>>) dst(%arg9 : memref<25x80xi32, #tpu.memory_space<vmem>>)
        tpu.yield
      }) : () -> ()
      %scan3A_36 = arith.constant 0 : i32
      %scan3A_37 = arith.constant 25 : i32
      %scan3A_38 = arith.addi %scan3A_36, %scan3A_37 : i32
      %scan3A_39 = arith.constant 1 : i32
      scf.for %scan3A_41 = %scan3A_36 to %scan3A_38 step %scan3A_39  : i32 {
        %mul3A_42 = arith.constant 1 : i32
        %mul3A_43 = arith.muli %scan3A_41, %mul3A_42 : i32
        %add3A_44 = arith.constant 0 : i32
        %add3A_45 = arith.addi %add3A_44, %mul3A_43 : i32
        "tpu.region"() ({
          %run_scoped3A = tpu.sem_alloc : memref<!tpu.dma_semaphore, #tpu.memory_space<semaphore_mem>>
          %dma_start3A = arith.constant 0 : i32
          %dma_start3A_46 = tpu.memref_slice %arg9[%add3A_45, %dma_start3A] : memref<25x80xi32, #tpu.memory_space<vmem>> -> memref<1x80xi32, #tpu.memory_space<vmem>>
          %dma_start3A_47 = tpu.memref_squeeze %dma_start3A_46 : memref<1x80xi32, #tpu.memory_space<vmem>> -> memref<80xi32, #tpu.memory_space<vmem>>
          %dma_start3A_48 = arith.constant 0 : i32
          %dma_start3A_49 = arith.constant 0 : i32
          %dma_start3A_50 = tpu.memref_slice %arg12[%dma_start3A_48, %dma_start3A_49] : memref<10240x128xf32, #tpu.memory_space<vmem_shared>> -> memref<10240x128xf32, #tpu.memory_space<vmem_shared>>
          tpu.enqueue_indirect_dma source(%arg15 : memref<80x128xf32, #tpu.memory_space<vmem>>) target(%dma_start3A_50 : memref<10240x128xf32, #tpu.memory_space<vmem_shared>>) offsets(%dma_start3A_47 : memref<80xi32, #tpu.memory_space<vmem>>) semaphore(%run_scoped3A : memref<!tpu.dma_semaphore, #tpu.memory_space<semaphore_mem>>) {add = true}
          %dma_wait3A = arith.constant 0 : i32
          %dma_wait3A_51 = tpu.memref_slice %arg9[%add3A_45, %dma_wait3A] : memref<25x80xi32, #tpu.memory_space<vmem>> -> memref<1x80xi32, #tpu.memory_space<vmem>>
          %dma_wait3A_52 = tpu.memref_squeeze %dma_wait3A_51 : memref<1x80xi32, #tpu.memory_space<vmem>> -> memref<80xi32, #tpu.memory_space<vmem>>
          %dma_wait3A_53 = arith.constant 0 : i32
          %dma_wait3A_54 = arith.constant 0 : i32
          %dma_wait3A_55 = tpu.memref_slice %arg12[%dma_wait3A_53, %dma_wait3A_54] : memref<10240x128xf32, #tpu.memory_space<vmem_shared>> -> memref<10240x128xf32, #tpu.memory_space<vmem_shared>>
          tpu.wait_indirect_dma semaphore(%run_scoped3A : memref<!tpu.dma_semaphore, #tpu.memory_space<semaphore_mem>>) src(%arg15 : memref<80x128xf32, #tpu.memory_space<vmem>>) dst(%dma_wait3A_55 : memref<10240x128xf32, #tpu.memory_space<vmem_shared>>)
          tpu.yield
        }) : () -> ()
      }
      %scan3A_40 = arith.constant 25 : i32
    }
    %scan3A_24 = arith.constant 5 : i32
    %barrier3A_25 = arith.constant 0 : index
    tpu.barrier barrier_id(%barrier3A_25)
    %scan3A_26 = arith.constant 0 : i32
    %scan3A_27 = arith.constant 5 : i32
    %scan3A_28 = arith.addi %scan3A_26, %scan3A_27 : i32
    %scan3A_29 = arith.constant 1 : i32
    scf.for %scan3A_31 = %scan3A_26 to %scan3A_28 step %scan3A_29  : i32 {
      %mul3A_32 = arith.constant 1 : i32
      %mul3A_33 = arith.muli %scan3A_31, %mul3A_32 : i32
      %add3A_34 = arith.constant 0 : i32
      %add3A_35 = arith.addi %add3A_34, %mul3A_33 : i32
      %mul3A_36 = arith.constant 128 : i32
      %mul3A_37 = arith.muli %add3A_35, %mul3A_36 : i32
      %add3A_38 = arith.addi %mul3A_2, %mul3A_37 : i32
      %mul3A_39 = arith.constant 128 : i32
      %mul3A_40 = arith.muli %add3A_35, %mul3A_39 : i32
      %add3A_41 = arith.addi %mul3A_2, %mul3A_40 : i32
      "tpu.region"() ({
        %run_scoped3A = tpu.sem_alloc : memref<!tpu.dma_semaphore, #tpu.memory_space<semaphore_mem>>
        %dma_start3A = arith.constant 0 : i32
        %dma_start3A_42 = tpu.memref_slice %arg7[%arg0, %add3A_41, %dma_start3A] : memref<2x10240x128xf32, #tpu.memory_space<hbm>> -> memref<1x128x128xf32, #tpu.memory_space<hbm>>
        %dma_start3A_43 = tpu.memref_squeeze %dma_start3A_42 : memref<1x128x128xf32, #tpu.memory_space<hbm>> -> memref<128x128xf32, #tpu.memory_space<hbm>>
        %dma_start3A_44 = arith.constant 0 : i32
        %dma_start3A_45 = tpu.memref_slice %arg12[%add3A_38, %dma_start3A_44] : memref<10240x128xf32, #tpu.memory_space<vmem_shared>> -> memref<128x128xf32, #tpu.memory_space<vmem_shared>>
        tpu.enqueue_dma source(%dma_start3A_45 : memref<128x128xf32, #tpu.memory_space<vmem_shared>>) target(%dma_start3A_43 : memref<128x128xf32, #tpu.memory_space<hbm>>) target_semaphore(%run_scoped3A : memref<!tpu.dma_semaphore, #tpu.memory_space<semaphore_mem>>)
        %dma_wait3A = arith.constant 0 : i32
        %dma_wait3A_46 = tpu.memref_slice %arg7[%arg0, %add3A_41, %dma_wait3A] : memref<2x10240x128xf32, #tpu.memory_space<hbm>> -> memref<1x128x128xf32, #tpu.memory_space<hbm>>
        %dma_wait3A_47 = tpu.memref_squeeze %dma_wait3A_46 : memref<1x128x128xf32, #tpu.memory_space<hbm>> -> memref<128x128xf32, #tpu.memory_space<hbm>>
        %dma_wait3A_48 = arith.constant 0 : i32
        %dma_wait3A_49 = tpu.memref_slice %arg12[%add3A_38, %dma_wait3A_48] : memref<10240x128xf32, #tpu.memory_space<vmem_shared>> -> memref<128x128xf32, #tpu.memory_space<vmem_shared>>
        tpu.wait_dma2 semaphore(%run_scoped3A : memref<!tpu.dma_semaphore, #tpu.memory_space<semaphore_mem>>) src(%dma_wait3A_49 : memref<128x128xf32, #tpu.memory_space<vmem_shared>>) dst(%dma_wait3A_47 : memref<128x128xf32, #tpu.memory_space<hbm>>)
        tpu.yield
      }) : () -> ()
    }
    %scan3A_30 = arith.constant 5 : i32
    return
  }
}

#map = affine_map<(d0, d1) -> (0, 0)>
#map1 = affine_map<(d0, d1) -> (0, 0, 0, 0)>
#map2 = affine_map<(d0, d1) -> (0, 0, 0)>
module attributes {stable_mosaic.version = 14 : i64} {
  func.func @body(%arg0: i32, %arg1: i32, %arg2: memref<10240x128xf32, #tpu.memory_space<hbm>>, %arg3: memref<32x5x25x80xi32, #tpu.memory_space<hbm>>, %arg4: memref<32x5x25x80xi32, #tpu.memory_space<hbm>>, %arg5: memref<10000x128xf32, #tpu.memory_space<hbm>>, %arg6: memref<2x10240x128xf32, #tpu.memory_space<hbm>>, %arg7: memref<25x80xi32, #tpu.memory_space<vmem>>, %arg8: memref<25x80xi32, #tpu.memory_space<vmem>>, %arg9: memref<80x128xf32, #tpu.memory_space<vmem>>, %arg10: memref<80x128xf32, #tpu.memory_space<vmem>>, %arg11: memref<10240x128xf32, #tpu.memory_space<vmem_shared>>, %arg12: memref<!tpu.dma_semaphore, #tpu.memory_space<semaphore_mem>>, %arg13: memref<!tpu.dma_semaphore, #tpu.memory_space<semaphore_mem>>) attributes {dimension_semantics = [#tpu.dimension_semantics<core_parallel>, #tpu.dimension_semantics<subcore_parallel>], iteration_bounds = array<i64: 2, 16>, scalar_prefetch = 0 : i64, scratch_operands = 7 : i64, tpu.core_type = #tpu.core_type<sc_vector_subcore>, window_params = [{transform_indices = #map}, {transform_indices = #map1}, {transform_indices = #map1}, {transform_indices = #map}, {transform_indices = #map2}]} {
    %mul3A = arith.constant 16 : i32
    %mul3A_0 = arith.muli %arg0, %mul3A : i32
    %add3A = arith.addi %mul3A_0, %arg1 : i32
    %mul3A_1 = arith.constant 640 : i32
    %mul3A_2 = arith.muli %arg1, %mul3A_1 : i32
    "tpu.region"() ({
      %run_scoped3A = tpu.sem_alloc : memref<!tpu.dma_semaphore, #tpu.memory_space<semaphore_mem>>
      %dma_start3A = arith.constant 0 : i32
      %dma_start3A_13 = tpu.memref_slice %arg11[%mul3A_2, %dma_start3A] : memref<10240x128xf32, #tpu.memory_space<vmem_shared>> -> memref<640x128xf32, #tpu.memory_space<vmem_shared>>
      %dma_start3A_14 = arith.constant 0 : i32
      %dma_start3A_15 = tpu.memref_slice %arg2[%mul3A_2, %dma_start3A_14] : memref<10240x128xf32, #tpu.memory_space<hbm>> -> memref<640x128xf32, #tpu.memory_space<hbm>>
      tpu.enqueue_dma source(%dma_start3A_15 : memref<640x128xf32, #tpu.memory_space<hbm>>) target(%dma_start3A_13 : memref<640x128xf32, #tpu.memory_space<vmem_shared>>) target_semaphore(%run_scoped3A : memref<!tpu.dma_semaphore, #tpu.memory_space<semaphore_mem>>)
      %dma_wait3A = arith.constant 0 : i32
      %dma_wait3A_16 = tpu.memref_slice %arg11[%mul3A_2, %dma_wait3A] : memref<10240x128xf32, #tpu.memory_space<vmem_shared>> -> memref<640x128xf32, #tpu.memory_space<vmem_shared>>
      %dma_wait3A_17 = arith.constant 0 : i32
      %dma_wait3A_18 = tpu.memref_slice %arg2[%mul3A_2, %dma_wait3A_17] : memref<10240x128xf32, #tpu.memory_space<hbm>> -> memref<640x128xf32, #tpu.memory_space<hbm>>
      tpu.wait_dma2 semaphore(%run_scoped3A : memref<!tpu.dma_semaphore, #tpu.memory_space<semaphore_mem>>) src(%dma_wait3A_18 : memref<640x128xf32, #tpu.memory_space<hbm>>) dst(%dma_wait3A_16 : memref<640x128xf32, #tpu.memory_space<vmem_shared>>)
      tpu.yield
    }) : () -> ()
    %barrier3A = arith.constant 0 : index
    tpu.barrier barrier_id(%barrier3A)
    %scan3A = arith.constant 0 : i32
    %scan3A_3 = arith.constant 5 : i32
    %scan3A_4 = arith.addi %scan3A, %scan3A_3 : i32
    %scan3A_5 = arith.constant 1 : i32
    scf.for %scan3A_13 = %scan3A to %scan3A_4 step %scan3A_5  : i32 {
      %mul3A_14 = arith.constant 1 : i32
      %mul3A_15 = arith.muli %scan3A_13, %mul3A_14 : i32
      %add3A_16 = arith.constant 0 : i32
      %add3A_17 = arith.addi %add3A_16, %mul3A_15 : i32
      "tpu.region"() ({
        %run_scoped3A_35 = tpu.sem_alloc : memref<!tpu.dma_semaphore, #tpu.memory_space<semaphore_mem>>
        %dma_start3A_36 = arith.constant 0 : i32
        %dma_start3A_37 = arith.constant 0 : i32
        %dma_start3A_38 = tpu.memref_slice %arg3[%add3A, %add3A_17, %dma_start3A_36, %dma_start3A_37] : memref<32x5x25x80xi32, #tpu.memory_space<hbm>> -> memref<1x1x25x80xi32, #tpu.memory_space<hbm>>
        %dma_start3A_39 = tpu.memref_squeeze %dma_start3A_38 : memref<1x1x25x80xi32, #tpu.memory_space<hbm>> -> memref<25x80xi32, #tpu.memory_space<hbm>>
        %dma_start3A_40 = arith.constant 0 : i32
        %dma_start3A_41 = arith.constant 0 : i32
        %dma_start3A_42 = tpu.memref_slice %arg3[%add3A, %add3A_17, %dma_start3A_40, %dma_start3A_41] : memref<32x5x25x80xi32, #tpu.memory_space<hbm>> -> memref<1x1x25x80xi32, #tpu.memory_space<hbm>>
        %dma_start3A_43 = tpu.memref_squeeze %dma_start3A_42 : memref<1x1x25x80xi32, #tpu.memory_space<hbm>> -> memref<25x80xi32, #tpu.memory_space<hbm>>
        tpu.enqueue_dma source(%dma_start3A_43 : memref<25x80xi32, #tpu.memory_space<hbm>>) target(%arg7 : memref<25x80xi32, #tpu.memory_space<vmem>>) target_semaphore(%run_scoped3A_35 : memref<!tpu.dma_semaphore, #tpu.memory_space<semaphore_mem>>)
        %dma_wait3A_44 = arith.constant 0 : i32
        %dma_wait3A_45 = arith.constant 0 : i32
        %dma_wait3A_46 = tpu.memref_slice %arg3[%add3A, %add3A_17, %dma_wait3A_44, %dma_wait3A_45] : memref<32x5x25x80xi32, #tpu.memory_space<hbm>> -> memref<1x1x25x80xi32, #tpu.memory_space<hbm>>
        %dma_wait3A_47 = tpu.memref_squeeze %dma_wait3A_46 : memref<1x1x25x80xi32, #tpu.memory_space<hbm>> -> memref<25x80xi32, #tpu.memory_space<hbm>>
        %dma_wait3A_48 = arith.constant 0 : i32
        %dma_wait3A_49 = arith.constant 0 : i32
        %dma_wait3A_50 = tpu.memref_slice %arg3[%add3A, %add3A_17, %dma_wait3A_48, %dma_wait3A_49] : memref<32x5x25x80xi32, #tpu.memory_space<hbm>> -> memref<1x1x25x80xi32, #tpu.memory_space<hbm>>
        %dma_wait3A_51 = tpu.memref_squeeze %dma_wait3A_50 : memref<1x1x25x80xi32, #tpu.memory_space<hbm>> -> memref<25x80xi32, #tpu.memory_space<hbm>>
        tpu.wait_dma2 semaphore(%run_scoped3A_35 : memref<!tpu.dma_semaphore, #tpu.memory_space<semaphore_mem>>) src(%dma_wait3A_51 : memref<25x80xi32, #tpu.memory_space<hbm>>) dst(%arg7 : memref<25x80xi32, #tpu.memory_space<vmem>>)
        tpu.yield
      }) : () -> ()
      "tpu.region"() ({
        %run_scoped3A_35 = tpu.sem_alloc : memref<!tpu.dma_semaphore, #tpu.memory_space<semaphore_mem>>
        %dma_start3A_36 = arith.constant 0 : i32
        %dma_start3A_37 = arith.constant 0 : i32
        %dma_start3A_38 = tpu.memref_slice %arg4[%add3A, %add3A_17, %dma_start3A_36, %dma_start3A_37] : memref<32x5x25x80xi32, #tpu.memory_space<hbm>> -> memref<1x1x25x80xi32, #tpu.memory_space<hbm>>
        %dma_start3A_39 = tpu.memref_squeeze %dma_start3A_38 : memref<1x1x25x80xi32, #tpu.memory_space<hbm>> -> memref<25x80xi32, #tpu.memory_space<hbm>>
        %dma_start3A_40 = arith.constant 0 : i32
        %dma_start3A_41 = arith.constant 0 : i32
        %dma_start3A_42 = tpu.memref_slice %arg4[%add3A, %add3A_17, %dma_start3A_40, %dma_start3A_41] : memref<32x5x25x80xi32, #tpu.memory_space<hbm>> -> memref<1x1x25x80xi32, #tpu.memory_space<hbm>>
        %dma_start3A_43 = tpu.memref_squeeze %dma_start3A_42 : memref<1x1x25x80xi32, #tpu.memory_space<hbm>> -> memref<25x80xi32, #tpu.memory_space<hbm>>
        tpu.enqueue_dma source(%dma_start3A_43 : memref<25x80xi32, #tpu.memory_space<hbm>>) target(%arg8 : memref<25x80xi32, #tpu.memory_space<vmem>>) target_semaphore(%run_scoped3A_35 : memref<!tpu.dma_semaphore, #tpu.memory_space<semaphore_mem>>)
        %dma_wait3A_44 = arith.constant 0 : i32
        %dma_wait3A_45 = arith.constant 0 : i32
        %dma_wait3A_46 = tpu.memref_slice %arg4[%add3A, %add3A_17, %dma_wait3A_44, %dma_wait3A_45] : memref<32x5x25x80xi32, #tpu.memory_space<hbm>> -> memref<1x1x25x80xi32, #tpu.memory_space<hbm>>
        %dma_wait3A_47 = tpu.memref_squeeze %dma_wait3A_46 : memref<1x1x25x80xi32, #tpu.memory_space<hbm>> -> memref<25x80xi32, #tpu.memory_space<hbm>>
        %dma_wait3A_48 = arith.constant 0 : i32
        %dma_wait3A_49 = arith.constant 0 : i32
        %dma_wait3A_50 = tpu.memref_slice %arg4[%add3A, %add3A_17, %dma_wait3A_48, %dma_wait3A_49] : memref<32x5x25x80xi32, #tpu.memory_space<hbm>> -> memref<1x1x25x80xi32, #tpu.memory_space<hbm>>
        %dma_wait3A_51 = tpu.memref_squeeze %dma_wait3A_50 : memref<1x1x25x80xi32, #tpu.memory_space<hbm>> -> memref<25x80xi32, #tpu.memory_space<hbm>>
        tpu.wait_dma2 semaphore(%run_scoped3A_35 : memref<!tpu.dma_semaphore, #tpu.memory_space<semaphore_mem>>) src(%dma_wait3A_51 : memref<25x80xi32, #tpu.memory_space<hbm>>) dst(%arg8 : memref<25x80xi32, #tpu.memory_space<vmem>>)
        tpu.yield
      }) : () -> ()
      %dma_start3A = arith.constant 0 : i32
      %dma_start3A_18 = arith.constant 0 : i32
      %dma_start3A_19 = tpu.memref_slice %arg7[%dma_start3A, %dma_start3A_18] : memref<25x80xi32, #tpu.memory_space<vmem>> -> memref<1x80xi32, #tpu.memory_space<vmem>>
      %dma_start3A_20 = tpu.memref_squeeze %dma_start3A_19 : memref<1x80xi32, #tpu.memory_space<vmem>> -> memref<80xi32, #tpu.memory_space<vmem>>
      %dma_start3A_21 = arith.constant 0 : i32
      %dma_start3A_22 = arith.constant 0 : i32
      %dma_start3A_23 = tpu.memref_slice %arg5[%dma_start3A_21, %dma_start3A_22] : memref<10000x128xf32, #tpu.memory_space<hbm>> -> memref<10000x128xf32, #tpu.memory_space<hbm>>
      tpu.enqueue_indirect_dma source(%dma_start3A_23 : memref<10000x128xf32, #tpu.memory_space<hbm>>) target(%arg9 : memref<80x128xf32, #tpu.memory_space<vmem>>) offsets(%dma_start3A_20 : memref<80xi32, #tpu.memory_space<vmem>>) semaphore(%arg12 : memref<!tpu.dma_semaphore, #tpu.memory_space<semaphore_mem>>)
      %scan3A_24 = arith.constant 0 : i32
      %scan3A_25 = arith.constant 12 : i32
      %scan3A_26 = arith.addi %scan3A_24, %scan3A_25 : i32
      %scan3A_27 = arith.constant 1 : i32
      scf.for %scan3A_35 = %scan3A_24 to %scan3A_26 step %scan3A_27  : i32 {
        %mul3A_36 = arith.constant 1 : i32
        %mul3A_37 = arith.muli %scan3A_35, %mul3A_36 : i32
        %add3A_38 = arith.constant 0 : i32
        %add3A_39 = arith.addi %add3A_38, %mul3A_37 : i32
        %mul3A_40 = arith.constant 2 : i32
        %mul3A_41 = arith.muli %mul3A_40, %add3A_39 : i32
        %dma_wait3A_42 = arith.constant 0 : i32
        %dma_wait3A_43 = arith.constant 0 : i32
        %dma_wait3A_44 = tpu.memref_slice %arg7[%dma_wait3A_42, %dma_wait3A_43] : memref<25x80xi32, #tpu.memory_space<vmem>> -> memref<1x80xi32, #tpu.memory_space<vmem>>
        %dma_wait3A_45 = tpu.memref_squeeze %dma_wait3A_44 : memref<1x80xi32, #tpu.memory_space<vmem>> -> memref<80xi32, #tpu.memory_space<vmem>>
        %dma_wait3A_46 = arith.constant 0 : i32
        %dma_wait3A_47 = arith.constant 0 : i32
        %dma_wait3A_48 = tpu.memref_slice %arg5[%dma_wait3A_46, %dma_wait3A_47] : memref<10000x128xf32, #tpu.memory_space<hbm>> -> memref<10000x128xf32, #tpu.memory_space<hbm>>
        tpu.wait_indirect_dma semaphore(%arg12 : memref<!tpu.dma_semaphore, #tpu.memory_space<semaphore_mem>>) src(%dma_wait3A_48 : memref<10000x128xf32, #tpu.memory_space<hbm>>) dst(%arg9 : memref<80x128xf32, #tpu.memory_space<vmem>>)
        %add3A_49 = arith.constant 1 : i32
        %add3A_50 = arith.addi %mul3A_41, %add3A_49 : i32
        %dma_start3A_51 = arith.constant 0 : i32
        %dma_start3A_52 = tpu.memref_slice %arg7[%add3A_50, %dma_start3A_51] : memref<25x80xi32, #tpu.memory_space<vmem>> -> memref<1x80xi32, #tpu.memory_space<vmem>>
        %dma_start3A_53 = tpu.memref_squeeze %dma_start3A_52 : memref<1x80xi32, #tpu.memory_space<vmem>> -> memref<80xi32, #tpu.memory_space<vmem>>
        %dma_start3A_54 = arith.constant 0 : i32
        %dma_start3A_55 = arith.constant 0 : i32
        %dma_start3A_56 = tpu.memref_slice %arg5[%dma_start3A_54, %dma_start3A_55] : memref<10000x128xf32, #tpu.memory_space<hbm>> -> memref<10000x128xf32, #tpu.memory_space<hbm>>
        tpu.enqueue_indirect_dma source(%dma_start3A_56 : memref<10000x128xf32, #tpu.memory_space<hbm>>) target(%arg10 : memref<80x128xf32, #tpu.memory_space<vmem>>) offsets(%dma_start3A_53 : memref<80xi32, #tpu.memory_space<vmem>>) semaphore(%arg13 : memref<!tpu.dma_semaphore, #tpu.memory_space<semaphore_mem>>)
        "tpu.region"() ({
          %run_scoped3A_74 = tpu.sem_alloc : memref<!tpu.dma_semaphore, #tpu.memory_space<semaphore_mem>>
          %dma_start3A_75 = arith.constant 0 : i32
          %dma_start3A_76 = tpu.memref_slice %arg8[%mul3A_41, %dma_start3A_75] : memref<25x80xi32, #tpu.memory_space<vmem>> -> memref<1x80xi32, #tpu.memory_space<vmem>>
          %dma_start3A_77 = tpu.memref_squeeze %dma_start3A_76 : memref<1x80xi32, #tpu.memory_space<vmem>> -> memref<80xi32, #tpu.memory_space<vmem>>
          %dma_start3A_78 = arith.constant 0 : i32
          %dma_start3A_79 = arith.constant 0 : i32
          %dma_start3A_80 = tpu.memref_slice %arg11[%dma_start3A_78, %dma_start3A_79] : memref<10240x128xf32, #tpu.memory_space<vmem_shared>> -> memref<10240x128xf32, #tpu.memory_space<vmem_shared>>
          tpu.enqueue_indirect_dma source(%arg9 : memref<80x128xf32, #tpu.memory_space<vmem>>) target(%dma_start3A_80 : memref<10240x128xf32, #tpu.memory_space<vmem_shared>>) offsets(%dma_start3A_77 : memref<80xi32, #tpu.memory_space<vmem>>) semaphore(%run_scoped3A_74 : memref<!tpu.dma_semaphore, #tpu.memory_space<semaphore_mem>>) {add = true}
          %dma_wait3A_81 = arith.constant 0 : i32
          %dma_wait3A_82 = tpu.memref_slice %arg8[%mul3A_41, %dma_wait3A_81] : memref<25x80xi32, #tpu.memory_space<vmem>> -> memref<1x80xi32, #tpu.memory_space<vmem>>
          %dma_wait3A_83 = tpu.memref_squeeze %dma_wait3A_82 : memref<1x80xi32, #tpu.memory_space<vmem>> -> memref<80xi32, #tpu.memory_space<vmem>>
          %dma_wait3A_84 = arith.constant 0 : i32
          %dma_wait3A_85 = arith.constant 0 : i32
          %dma_wait3A_86 = tpu.memref_slice %arg11[%dma_wait3A_84, %dma_wait3A_85] : memref<10240x128xf32, #tpu.memory_space<vmem_shared>> -> memref<10240x128xf32, #tpu.memory_space<vmem_shared>>
          tpu.wait_indirect_dma semaphore(%run_scoped3A_74 : memref<!tpu.dma_semaphore, #tpu.memory_space<semaphore_mem>>) src(%arg9 : memref<80x128xf32, #tpu.memory_space<vmem>>) dst(%dma_wait3A_86 : memref<10240x128xf32, #tpu.memory_space<vmem_shared>>)
          tpu.yield
        }) : () -> ()
        %dma_wait3A_57 = arith.constant 0 : i32
        %dma_wait3A_58 = arith.constant 0 : i32
        %dma_wait3A_59 = tpu.memref_slice %arg7[%dma_wait3A_57, %dma_wait3A_58] : memref<25x80xi32, #tpu.memory_space<vmem>> -> memref<1x80xi32, #tpu.memory_space<vmem>>
        %dma_wait3A_60 = tpu.memref_squeeze %dma_wait3A_59 : memref<1x80xi32, #tpu.memory_space<vmem>> -> memref<80xi32, #tpu.memory_space<vmem>>
        %dma_wait3A_61 = arith.constant 0 : i32
        %dma_wait3A_62 = arith.constant 0 : i32
        %dma_wait3A_63 = tpu.memref_slice %arg5[%dma_wait3A_61, %dma_wait3A_62] : memref<10000x128xf32, #tpu.memory_space<hbm>> -> memref<10000x128xf32, #tpu.memory_space<hbm>>
        tpu.wait_indirect_dma semaphore(%arg13 : memref<!tpu.dma_semaphore, #tpu.memory_space<semaphore_mem>>) src(%dma_wait3A_63 : memref<10000x128xf32, #tpu.memory_space<hbm>>) dst(%arg10 : memref<80x128xf32, #tpu.memory_space<vmem>>)
        %add3A_64 = arith.constant 2 : i32
        %add3A_65 = arith.addi %mul3A_41, %add3A_64 : i32
        %dma_start3A_66 = arith.constant 0 : i32
        %dma_start3A_67 = tpu.memref_slice %arg7[%add3A_65, %dma_start3A_66] : memref<25x80xi32, #tpu.memory_space<vmem>> -> memref<1x80xi32, #tpu.memory_space<vmem>>
        %dma_start3A_68 = tpu.memref_squeeze %dma_start3A_67 : memref<1x80xi32, #tpu.memory_space<vmem>> -> memref<80xi32, #tpu.memory_space<vmem>>
        %dma_start3A_69 = arith.constant 0 : i32
        %dma_start3A_70 = arith.constant 0 : i32
        %dma_start3A_71 = tpu.memref_slice %arg5[%dma_start3A_69, %dma_start3A_70] : memref<10000x128xf32, #tpu.memory_space<hbm>> -> memref<10000x128xf32, #tpu.memory_space<hbm>>
        tpu.enqueue_indirect_dma source(%dma_start3A_71 : memref<10000x128xf32, #tpu.memory_space<hbm>>) target(%arg9 : memref<80x128xf32, #tpu.memory_space<vmem>>) offsets(%dma_start3A_68 : memref<80xi32, #tpu.memory_space<vmem>>) semaphore(%arg12 : memref<!tpu.dma_semaphore, #tpu.memory_space<semaphore_mem>>)
        %add3A_72 = arith.constant 1 : i32
        %add3A_73 = arith.addi %mul3A_41, %add3A_72 : i32
        "tpu.region"() ({
          %run_scoped3A_74 = tpu.sem_alloc : memref<!tpu.dma_semaphore, #tpu.memory_space<semaphore_mem>>
          %dma_start3A_75 = arith.constant 0 : i32
          %dma_start3A_76 = tpu.memref_slice %arg8[%add3A_73, %dma_start3A_75] : memref<25x80xi32, #tpu.memory_space<vmem>> -> memref<1x80xi32, #tpu.memory_space<vmem>>
          %dma_start3A_77 = tpu.memref_squeeze %dma_start3A_76 : memref<1x80xi32, #tpu.memory_space<vmem>> -> memref<80xi32, #tpu.memory_space<vmem>>
          %dma_start3A_78 = arith.constant 0 : i32
          %dma_start3A_79 = arith.constant 0 : i32
          %dma_start3A_80 = tpu.memref_slice %arg11[%dma_start3A_78, %dma_start3A_79] : memref<10240x128xf32, #tpu.memory_space<vmem_shared>> -> memref<10240x128xf32, #tpu.memory_space<vmem_shared>>
          tpu.enqueue_indirect_dma source(%arg10 : memref<80x128xf32, #tpu.memory_space<vmem>>) target(%dma_start3A_80 : memref<10240x128xf32, #tpu.memory_space<vmem_shared>>) offsets(%dma_start3A_77 : memref<80xi32, #tpu.memory_space<vmem>>) semaphore(%run_scoped3A_74 : memref<!tpu.dma_semaphore, #tpu.memory_space<semaphore_mem>>) {add = true}
          %dma_wait3A_81 = arith.constant 0 : i32
          %dma_wait3A_82 = tpu.memref_slice %arg8[%add3A_73, %dma_wait3A_81] : memref<25x80xi32, #tpu.memory_space<vmem>> -> memref<1x80xi32, #tpu.memory_space<vmem>>
          %dma_wait3A_83 = tpu.memref_squeeze %dma_wait3A_82 : memref<1x80xi32, #tpu.memory_space<vmem>> -> memref<80xi32, #tpu.memory_space<vmem>>
          %dma_wait3A_84 = arith.constant 0 : i32
          %dma_wait3A_85 = arith.constant 0 : i32
          %dma_wait3A_86 = tpu.memref_slice %arg11[%dma_wait3A_84, %dma_wait3A_85] : memref<10240x128xf32, #tpu.memory_space<vmem_shared>> -> memref<10240x128xf32, #tpu.memory_space<vmem_shared>>
          tpu.wait_indirect_dma semaphore(%run_scoped3A_74 : memref<!tpu.dma_semaphore, #tpu.memory_space<semaphore_mem>>) src(%arg10 : memref<80x128xf32, #tpu.memory_space<vmem>>) dst(%dma_wait3A_86 : memref<10240x128xf32, #tpu.memory_space<vmem_shared>>)
          tpu.yield
        }) : () -> ()
      }
      %scan3A_28 = arith.constant 12 : i32
      %dma_wait3A = arith.constant 0 : i32
      %dma_wait3A_29 = arith.constant 0 : i32
      %dma_wait3A_30 = tpu.memref_slice %arg7[%dma_wait3A, %dma_wait3A_29] : memref<25x80xi32, #tpu.memory_space<vmem>> -> memref<1x80xi32, #tpu.memory_space<vmem>>
      %dma_wait3A_31 = tpu.memref_squeeze %dma_wait3A_30 : memref<1x80xi32, #tpu.memory_space<vmem>> -> memref<80xi32, #tpu.memory_space<vmem>>
      %dma_wait3A_32 = arith.constant 0 : i32
      %dma_wait3A_33 = arith.constant 0 : i32
      %dma_wait3A_34 = tpu.memref_slice %arg5[%dma_wait3A_32, %dma_wait3A_33] : memref<10000x128xf32, #tpu.memory_space<hbm>> -> memref<10000x128xf32, #tpu.memory_space<hbm>>
      tpu.wait_indirect_dma semaphore(%arg12 : memref<!tpu.dma_semaphore, #tpu.memory_space<semaphore_mem>>) src(%dma_wait3A_34 : memref<10000x128xf32, #tpu.memory_space<hbm>>) dst(%arg9 : memref<80x128xf32, #tpu.memory_space<vmem>>)
      %run_scoped3A = arith.constant 24 : i32
      "tpu.region"() ({
        %run_scoped3A_35 = tpu.sem_alloc : memref<!tpu.dma_semaphore, #tpu.memory_space<semaphore_mem>>
        %dma_start3A_36 = arith.constant 0 : i32
        %dma_start3A_37 = tpu.memref_slice %arg8[%run_scoped3A, %dma_start3A_36] : memref<25x80xi32, #tpu.memory_space<vmem>> -> memref<1x80xi32, #tpu.memory_space<vmem>>
        %dma_start3A_38 = tpu.memref_squeeze %dma_start3A_37 : memref<1x80xi32, #tpu.memory_space<vmem>> -> memref<80xi32, #tpu.memory_space<vmem>>
        %dma_start3A_39 = arith.constant 0 : i32
        %dma_start3A_40 = arith.constant 0 : i32
        %dma_start3A_41 = tpu.memref_slice %arg11[%dma_start3A_39, %dma_start3A_40] : memref<10240x128xf32, #tpu.memory_space<vmem_shared>> -> memref<10240x128xf32, #tpu.memory_space<vmem_shared>>
        tpu.enqueue_indirect_dma source(%arg9 : memref<80x128xf32, #tpu.memory_space<vmem>>) target(%dma_start3A_41 : memref<10240x128xf32, #tpu.memory_space<vmem_shared>>) offsets(%dma_start3A_38 : memref<80xi32, #tpu.memory_space<vmem>>) semaphore(%run_scoped3A_35 : memref<!tpu.dma_semaphore, #tpu.memory_space<semaphore_mem>>) {add = true}
        %dma_wait3A_42 = arith.constant 0 : i32
        %dma_wait3A_43 = tpu.memref_slice %arg8[%run_scoped3A, %dma_wait3A_42] : memref<25x80xi32, #tpu.memory_space<vmem>> -> memref<1x80xi32, #tpu.memory_space<vmem>>
        %dma_wait3A_44 = tpu.memref_squeeze %dma_wait3A_43 : memref<1x80xi32, #tpu.memory_space<vmem>> -> memref<80xi32, #tpu.memory_space<vmem>>
        %dma_wait3A_45 = arith.constant 0 : i32
        %dma_wait3A_46 = arith.constant 0 : i32
        %dma_wait3A_47 = tpu.memref_slice %arg11[%dma_wait3A_45, %dma_wait3A_46] : memref<10240x128xf32, #tpu.memory_space<vmem_shared>> -> memref<10240x128xf32, #tpu.memory_space<vmem_shared>>
        tpu.wait_indirect_dma semaphore(%run_scoped3A_35 : memref<!tpu.dma_semaphore, #tpu.memory_space<semaphore_mem>>) src(%arg9 : memref<80x128xf32, #tpu.memory_space<vmem>>) dst(%dma_wait3A_47 : memref<10240x128xf32, #tpu.memory_space<vmem_shared>>)
        tpu.yield
      }) : () -> ()
    }
    %scan3A_6 = arith.constant 5 : i32
    %barrier3A_7 = arith.constant 0 : index
    tpu.barrier barrier_id(%barrier3A_7)
    %scan3A_8 = arith.constant 0 : i32
    %scan3A_9 = arith.constant 5 : i32
    %scan3A_10 = arith.addi %scan3A_8, %scan3A_9 : i32
    %scan3A_11 = arith.constant 1 : i32
    scf.for %scan3A_13 = %scan3A_8 to %scan3A_10 step %scan3A_11  : i32 {
      %mul3A_14 = arith.constant 1 : i32
      %mul3A_15 = arith.muli %scan3A_13, %mul3A_14 : i32
      %add3A_16 = arith.constant 0 : i32
      %add3A_17 = arith.addi %add3A_16, %mul3A_15 : i32
      %mul3A_18 = arith.constant 128 : i32
      %mul3A_19 = arith.muli %add3A_17, %mul3A_18 : i32
      %add3A_20 = arith.addi %mul3A_2, %mul3A_19 : i32
      %mul3A_21 = arith.constant 128 : i32
      %mul3A_22 = arith.muli %add3A_17, %mul3A_21 : i32
      %add3A_23 = arith.addi %mul3A_2, %mul3A_22 : i32
      "tpu.region"() ({
        %run_scoped3A = tpu.sem_alloc : memref<!tpu.dma_semaphore, #tpu.memory_space<semaphore_mem>>
        %dma_start3A = arith.constant 0 : i32
        %dma_start3A_24 = tpu.memref_slice %arg6[%arg0, %add3A_23, %dma_start3A] : memref<2x10240x128xf32, #tpu.memory_space<hbm>> -> memref<1x128x128xf32, #tpu.memory_space<hbm>>
        %dma_start3A_25 = tpu.memref_squeeze %dma_start3A_24 : memref<1x128x128xf32, #tpu.memory_space<hbm>> -> memref<128x128xf32, #tpu.memory_space<hbm>>
        %dma_start3A_26 = arith.constant 0 : i32
        %dma_start3A_27 = tpu.memref_slice %arg11[%add3A_20, %dma_start3A_26] : memref<10240x128xf32, #tpu.memory_space<vmem_shared>> -> memref<128x128xf32, #tpu.memory_space<vmem_shared>>
        tpu.enqueue_dma source(%dma_start3A_27 : memref<128x128xf32, #tpu.memory_space<vmem_shared>>) target(%dma_start3A_25 : memref<128x128xf32, #tpu.memory_space<hbm>>) target_semaphore(%run_scoped3A : memref<!tpu.dma_semaphore, #tpu.memory_space<semaphore_mem>>)
        %dma_wait3A = arith.constant 0 : i32
        %dma_wait3A_28 = tpu.memref_slice %arg6[%arg0, %add3A_23, %dma_wait3A] : memref<2x10240x128xf32, #tpu.memory_space<hbm>> -> memref<1x128x128xf32, #tpu.memory_space<hbm>>
        %dma_wait3A_29 = tpu.memref_squeeze %dma_wait3A_28 : memref<1x128x128xf32, #tpu.memory_space<hbm>> -> memref<128x128xf32, #tpu.memory_space<hbm>>
        %dma_wait3A_30 = arith.constant 0 : i32
        %dma_wait3A_31 = tpu.memref_slice %arg11[%add3A_20, %dma_wait3A_30] : memref<10240x128xf32, #tpu.memory_space<vmem_shared>> -> memref<128x128xf32, #tpu.memory_space<vmem_shared>>
        tpu.wait_dma2 semaphore(%run_scoped3A : memref<!tpu.dma_semaphore, #tpu.memory_space<semaphore_mem>>) src(%dma_wait3A_31 : memref<128x128xf32, #tpu.memory_space<vmem_shared>>) dst(%dma_wait3A_29 : memref<128x128xf32, #tpu.memory_space<hbm>>)
        tpu.yield
      }) : () -> ()
    }
    %scan3A_12 = arith.constant 5 : i32
    return
  }
}

module attributes {stable_mosaic.version = 14 : i64} {
  func.func @_proj_body(%arg0: i32, %arg1: memref<1000x128xf32, #tpu.memory_space<vmem>>, %arg2: memref<1000x8xf32, #tpu.memory_space<vmem>>, %arg3: memref<128x128xf32, #tpu.memory_space<vmem>>, %arg4: memref<8x128xf32, #tpu.memory_space<vmem>>, %arg5: memref<128x128xf32, #tpu.memory_space<vmem>>, %arg6: memref<8x128xf32, #tpu.memory_space<vmem>>, %arg7: memref<1x128xf32, #tpu.memory_space<vmem>>, %arg8: memref<1000x128xf32, #tpu.memory_space<vmem>>, %arg9: memref<1000x128xf32, #tpu.memory_space<vmem>>) attributes {dimension_semantics = [#tpu.dimension_semantics<arbitrary>], iteration_bounds = array<i64: 10>, scalar_prefetch = 0 : i64, scratch_operands = 0 : i64, tpu.core_type = #tpu.core_type<tc>, window_params = [{transform_indices = @transform_0, window_bounds = array<i64: 1000, 128>}, {transform_indices = @transform_1, window_bounds = array<i64: 1000, 8>}, {pipeline_mode = #tpu.pipeline_mode<synchronous>, transform_indices = @transform_2, window_bounds = array<i64: 128, 128>}, {pipeline_mode = #tpu.pipeline_mode<synchronous>, transform_indices = @transform_3, window_bounds = array<i64: 8, 128>}, {pipeline_mode = #tpu.pipeline_mode<synchronous>, transform_indices = @transform_4, window_bounds = array<i64: 128, 128>}, {pipeline_mode = #tpu.pipeline_mode<synchronous>, transform_indices = @transform_5, window_bounds = array<i64: 8, 128>}, {pipeline_mode = #tpu.pipeline_mode<synchronous>, transform_indices = @transform_6, window_bounds = array<i64: 1, 128>}, {transform_indices = @transform_7, window_bounds = array<i64: 1000, 128>}, {transform_indices = @transform_8, window_bounds = array<i64: 1000, 128>}]} {
    %get3A = arith.constant 0 : index
    %get3A_0 = arith.constant 0 : index
    %get3A_1 = vector.load %arg1[%get3A, %get3A_0] : memref<1000x128xf32, #tpu.memory_space<vmem>>, vector<1000x128xf32>
    %get3A_2 = arith.constant 0 : index
    %get3A_3 = arith.constant 0 : index
    %get3A_4 = vector.load %arg2[%get3A_2, %get3A_3] : memref<1000x8xf32, #tpu.memory_space<vmem>>, vector<1000x8xf32>
    %get3A_5 = arith.constant 0 : index
    %get3A_6 = arith.constant 0 : index
    %get3A_7 = vector.load %arg3[%get3A_5, %get3A_6] : memref<128x128xf32, #tpu.memory_space<vmem>>, vector<128x128xf32>
    %dot_general3A = arith.constant dense<0.000000e+00> : vector<1000x128xf32>
    %dot_general3A_8 = tpu.matmul %get3A_1, %get3A_7, %dot_general3A {dimension_numbers = #tpu.dot_dimension_numbers<[1], [0], [0], [1], [0, 0, 1, 1], [], []>, transpose_lhs_hint = false} : vector<1000x128xf32>, vector<128x128xf32>, vector<1000x128xf32> -> vector<1000x128xf32>
    %get3A_9 = arith.constant 0 : index
    %get3A_10 = arith.constant 0 : index
    %get3A_11 = vector.load %arg4[%get3A_9, %get3A_10] : memref<8x128xf32, #tpu.memory_space<vmem>>, vector<8x128xf32>
    %dot_general3A_12 = arith.constant dense<0.000000e+00> : vector<1000x128xf32>
    %dot_general3A_13 = tpu.matmul %get3A_4, %get3A_11, %dot_general3A_12 {dimension_numbers = #tpu.dot_dimension_numbers<[1], [0], [0], [1], [0, 0, 1, 1], [], []>, transpose_lhs_hint = false} : vector<1000x8xf32>, vector<8x128xf32>, vector<1000x128xf32> -> vector<1000x128xf32>
    %add3A = arith.addf %dot_general3A_8, %dot_general3A_13 : vector<1000x128xf32>
    %swap3A = arith.constant 0 : index
    %swap3A_14 = arith.constant 0 : index
    %swap3A_15 = vector.load %arg8[%swap3A, %swap3A_14] : memref<1000x128xf32, #tpu.memory_space<vmem>>, vector<1000x128xf32>
    tpu.vector_store %arg8[%swap3A, %swap3A_14], %add3A {strides = array<i32>} : memref<1000x128xf32, #tpu.memory_space<vmem>>, vector<1000x128xf32>,
    %get3A_16 = arith.constant 0 : index
    %get3A_17 = arith.constant 0 : index
    %get3A_18 = vector.load %arg5[%get3A_16, %get3A_17] : memref<128x128xf32, #tpu.memory_space<vmem>>, vector<128x128xf32>
    %dot_general3A_19 = arith.constant dense<0.000000e+00> : vector<1000x128xf32>
    %dot_general3A_20 = tpu.matmul %get3A_1, %get3A_18, %dot_general3A_19 {dimension_numbers = #tpu.dot_dimension_numbers<[1], [0], [0], [1], [0, 0, 1, 1], [], []>, transpose_lhs_hint = false} : vector<1000x128xf32>, vector<128x128xf32>, vector<1000x128xf32> -> vector<1000x128xf32>
    %get3A_21 = arith.constant 0 : index
    %get3A_22 = arith.constant 0 : index
    %get3A_23 = vector.load %arg6[%get3A_21, %get3A_22] : memref<8x128xf32, #tpu.memory_space<vmem>>, vector<8x128xf32>
    %dot_general3A_24 = arith.constant dense<0.000000e+00> : vector<1000x128xf32>
    %dot_general3A_25 = tpu.matmul %get3A_4, %get3A_23, %dot_general3A_24 {dimension_numbers = #tpu.dot_dimension_numbers<[1], [0], [0], [1], [0, 0, 1, 1], [], []>, transpose_lhs_hint = false} : vector<1000x8xf32>, vector<8x128xf32>, vector<1000x128xf32> -> vector<1000x128xf32>
    %add3A_26 = arith.addf %dot_general3A_20, %dot_general3A_25 : vector<1000x128xf32>
    %get3A_27 = arith.constant 0 : index
    %get3A_28 = arith.constant 0 : index
    %get3A_29 = vector.load %arg7[%get3A_27, %get3A_28] : memref<1x128xf32, #tpu.memory_space<vmem>>, vector<1x128xf32>
    %add3A_30 = vector.broadcast %get3A_29 : vector<1x128xf32> to vector<1000x128xf32>
    %add3A_31 = arith.addf %add3A_26, %add3A_30 : vector<1000x128xf32>
    %swap3A_32 = arith.constant 0 : index
    %swap3A_33 = arith.constant 0 : index
    %swap3A_34 = vector.load %arg9[%swap3A_32, %swap3A_33] : memref<1000x128xf32, #tpu.memory_space<vmem>>, vector<1000x128xf32>
    tpu.vector_store %arg9[%swap3A_32, %swap3A_33], %add3A_31 {strides = array<i32>} : memref<1000x128xf32, #tpu.memory_space<vmem>>, vector<1000x128xf32>,
    return
  }
  func.func @transform_0(%arg0: i32) -> (i32, i32) {
    %c0_i32 = arith.constant 0 : i32
    %c0_i32_0 = arith.constant 0 : i32
    return %arg0, %c0_i32 : i32, i32
  }
  func.func @transform_1(%arg0: i32) -> (i32, i32) {
    %c0_i32 = arith.constant 0 : i32
    %c0_i32_0 = arith.constant 0 : i32
    return %arg0, %c0_i32 : i32, i32
  }
  func.func @transform_2(%arg0: i32) -> (i32, i32) {
    %c0_i32 = arith.constant 0 : i32
    %c0_i32_0 = arith.constant 0 : i32
    %c0_i32_1 = arith.constant 0 : i32
    return %c0_i32, %c0_i32_0 : i32, i32
  }
  func.func @transform_3(%arg0: i32) -> (i32, i32) {
    %c0_i32 = arith.constant 0 : i32
    %c0_i32_0 = arith.constant 0 : i32
    %c0_i32_1 = arith.constant 0 : i32
    return %c0_i32, %c0_i32_0 : i32, i32
  }
  func.func @transform_4(%arg0: i32) -> (i32, i32) {
    %c0_i32 = arith.constant 0 : i32
    %c0_i32_0 = arith.constant 0 : i32
    %c0_i32_1 = arith.constant 0 : i32
    return %c0_i32, %c0_i32_0 : i32, i32
  }
  func.func @transform_5(%arg0: i32) -> (i32, i32) {
    %c0_i32 = arith.constant 0 : i32
    %c0_i32_0 = arith.constant 0 : i32
    %c0_i32_1 = arith.constant 0 : i32
    return %c0_i32, %c0_i32_0 : i32, i32
  }
  func.func @transform_6(%arg0: i32) -> (i32, i32) {
    %c0_i32 = arith.constant 0 : i32
    %c0_i32_0 = arith.constant 0 : i32
    %c0_i32_1 = arith.constant 0 : i32
    return %c0_i32, %c0_i32_0 : i32, i32
  }
  func.func @transform_7(%arg0: i32) -> (i32, i32) {
    %c0_i32 = arith.constant 0 : i32
    %c0_i32_0 = arith.constant 0 : i32
    return %arg0, %c0_i32 : i32, i32
  }
  func.func @transform_8(%arg0: i32) -> (i32, i32) {
    %c0_i32 = arith.constant 0 : i32
    %c0_i32_0 = arith.constant 0 : i32
    return %arg0, %c0_i32 : i32, i32
  }
}

module attributes {stable_mosaic.version = 14 : i64} {
  func.func @_mid_body(%arg0: i32, %arg1: memref<1x1000x128xf32, #tpu.memory_space<vmem>>, %arg2: memref<1x1000x128xf32, #tpu.memory_space<vmem>>, %arg3: memref<1x1000x128xf32, #tpu.memory_space<vmem>>, %arg4: memref<1x1000x128xf32, #tpu.memory_space<vmem>>, %arg5: memref<1000x128xf32, #tpu.memory_space<vmem>>, %arg6: memref<128x128xf32, #tpu.memory_space<vmem>>, %arg7: memref<128x128xf32, #tpu.memory_space<vmem>>, %arg8: memref<1x128xf32, #tpu.memory_space<vmem>>, %arg9: memref<1000x128xf32, #tpu.memory_space<vmem>>, %arg10: memref<1000x128xf32, #tpu.memory_space<vmem>>) attributes {dimension_semantics = [#tpu.dimension_semantics<arbitrary>], iteration_bounds = array<i64: 10>, scalar_prefetch = 0 : i64, scratch_operands = 0 : i64, tpu.core_type = #tpu.core_type<tc>, window_params = [{transform_indices = @transform_0, window_bounds = array<i64: 1, 1000, 128>}, {transform_indices = @transform_1, window_bounds = array<i64: 1, 1000, 128>}, {transform_indices = @transform_2, window_bounds = array<i64: 1, 1000, 128>}, {transform_indices = @transform_3, window_bounds = array<i64: 1, 1000, 128>}, {transform_indices = @transform_4, window_bounds = array<i64: 1000, 128>}, {pipeline_mode = #tpu.pipeline_mode<synchronous>, transform_indices = @transform_5, window_bounds = array<i64: 128, 128>}, {pipeline_mode = #tpu.pipeline_mode<synchronous>, transform_indices = @transform_6, window_bounds = array<i64: 128, 128>}, {pipeline_mode = #tpu.pipeline_mode<synchronous>, transform_indices = @transform_7, window_bounds = array<i64: 1, 128>}, {transform_indices = @transform_8, window_bounds = array<i64: 1000, 128>}, {transform_indices = @transform_9, window_bounds = array<i64: 1000, 128>}]} {
    %get3A = arith.constant 0 : index
    %get3A_0 = arith.constant 0 : index
    %get3A_1 = arith.constant 0 : index
    %get3A_2 = vector.load %arg1[%get3A, %get3A_0, %get3A_1] : memref<1x1000x128xf32, #tpu.memory_space<vmem>>, vector<1x1000x128xf32>
    %get3A_3 = vector.shape_cast %get3A_2 : vector<1x1000x128xf32> to vector<1000x128xf32>
    %get3A_4 = arith.constant 0 : index
    %get3A_5 = arith.constant 0 : index
    %get3A_6 = arith.constant 0 : index
    %get3A_7 = vector.load %arg2[%get3A_4, %get3A_5, %get3A_6] : memref<1x1000x128xf32, #tpu.memory_space<vmem>>, vector<1x1000x128xf32>
    %get3A_8 = vector.shape_cast %get3A_7 : vector<1x1000x128xf32> to vector<1000x128xf32>
    %add3A = arith.addf %get3A_3, %get3A_8 : vector<1000x128xf32>
    %get3A_9 = arith.constant 0 : index
    %get3A_10 = arith.constant 0 : index
    %get3A_11 = arith.constant 0 : index
    %get3A_12 = vector.load %arg3[%get3A_9, %get3A_10, %get3A_11] : memref<1x1000x128xf32, #tpu.memory_space<vmem>>, vector<1x1000x128xf32>
    %get3A_13 = vector.shape_cast %get3A_12 : vector<1x1000x128xf32> to vector<1000x128xf32>
    %slice3A = vector.extract_strided_slice %get3A_13 {offsets = [0, 0], sizes = [1000, 1], strides = [1, 1]} : vector<1000x128xf32> to vector<1000x1xf32>
    %get3A_14 = arith.constant 0 : index
    %get3A_15 = arith.constant 0 : index
    %get3A_16 = arith.constant 0 : index
    %get3A_17 = vector.load %arg4[%get3A_14, %get3A_15, %get3A_16] : memref<1x1000x128xf32, #tpu.memory_space<vmem>>, vector<1x1000x128xf32>
    %get3A_18 = vector.shape_cast %get3A_17 : vector<1x1000x128xf32> to vector<1000x128xf32>
    %slice3A_19 = vector.extract_strided_slice %get3A_18 {offsets = [0, 0], sizes = [1000, 1], strides = [1, 1]} : vector<1000x128xf32> to vector<1000x1xf32>
    %add3A_20 = arith.addf %slice3A, %slice3A_19 : vector<1000x1xf32>
    %max3A = arith.constant 1.000000e+00 : f32
    %max3A_21 = vector.broadcast %max3A : f32 to vector<1000x1xf32>
    %max3A_22 = arith.maximumf %add3A_20, %max3A_21 : vector<1000x1xf32>
    %div3A = vector.broadcast %max3A_22 : vector<1000x1xf32> to vector<1000x128xf32>
    %div3A_23 = arith.divf %add3A, %div3A : vector<1000x128xf32>
    %get3A_24 = arith.constant 0 : index
    %get3A_25 = arith.constant 0 : index
    %get3A_26 = vector.load %arg5[%get3A_24, %get3A_25] : memref<1000x128xf32, #tpu.memory_space<vmem>>, vector<1000x128xf32>
    %add3A_27 = arith.addf %div3A_23, %get3A_26 : vector<1000x128xf32>
    %max3A_28 = arith.constant 0.000000e+00 : f32
    %max3A_29 = vector.broadcast %max3A_28 : f32 to vector<1000x128xf32>
    %max3A_30 = arith.maximumf %add3A_27, %max3A_29 : vector<1000x128xf32>
    %get3A_31 = arith.constant 0 : index
    %get3A_32 = arith.constant 0 : index
    %get3A_33 = vector.load %arg6[%get3A_31, %get3A_32] : memref<128x128xf32, #tpu.memory_space<vmem>>, vector<128x128xf32>
    %dot_general3A = arith.constant dense<0.000000e+00> : vector<1000x128xf32>
    %dot_general3A_34 = tpu.matmul %max3A_30, %get3A_33, %dot_general3A {dimension_numbers = #tpu.dot_dimension_numbers<[1], [0], [0], [1], [0, 0, 1, 1], [], []>, transpose_lhs_hint = false} : vector<1000x128xf32>, vector<128x128xf32>, vector<1000x128xf32> -> vector<1000x128xf32>
    %swap3A = arith.constant 0 : index
    %swap3A_35 = arith.constant 0 : index
    %swap3A_36 = vector.load %arg9[%swap3A, %swap3A_35] : memref<1000x128xf32, #tpu.memory_space<vmem>>, vector<1000x128xf32>
    tpu.vector_store %arg9[%swap3A, %swap3A_35], %dot_general3A_34 {strides = array<i32>} : memref<1000x128xf32, #tpu.memory_space<vmem>>, vector<1000x128xf32>,
    %get3A_37 = arith.constant 0 : index
    %get3A_38 = arith.constant 0 : index
    %get3A_39 = vector.load %arg7[%get3A_37, %get3A_38] : memref<128x128xf32, #tpu.memory_space<vmem>>, vector<128x128xf32>
    %dot_general3A_40 = arith.constant dense<0.000000e+00> : vector<1000x128xf32>
    %dot_general3A_41 = tpu.matmul %max3A_30, %get3A_39, %dot_general3A_40 {dimension_numbers = #tpu.dot_dimension_numbers<[1], [0], [0], [1], [0, 0, 1, 1], [], []>, transpose_lhs_hint = false} : vector<1000x128xf32>, vector<128x128xf32>, vector<1000x128xf32> -> vector<1000x128xf32>
    %get3A_42 = arith.constant 0 : index
    %get3A_43 = arith.constant 0 : index
    %get3A_44 = vector.load %arg8[%get3A_42, %get3A_43] : memref<1x128xf32, #tpu.memory_space<vmem>>, vector<1x128xf32>
    %add3A_45 = vector.broadcast %get3A_44 : vector<1x128xf32> to vector<1000x128xf32>
    %add3A_46 = arith.addf %dot_general3A_41, %add3A_45 : vector<1000x128xf32>
    %swap3A_47 = arith.constant 0 : index
    %swap3A_48 = arith.constant 0 : index
    %swap3A_49 = vector.load %arg10[%swap3A_47, %swap3A_48] : memref<1000x128xf32, #tpu.memory_space<vmem>>, vector<1000x128xf32>
    tpu.vector_store %arg10[%swap3A_47, %swap3A_48], %add3A_46 {strides = array<i32>} : memref<1000x128xf32, #tpu.memory_space<vmem>>, vector<1000x128xf32>,
    return
  }
  func.func @transform_0(%arg0: i32) -> (i32, i32, i32) {
    %c0_i32 = arith.constant 0 : i32
    %c0_i32_0 = arith.constant 0 : i32
    %c0_i32_1 = arith.constant 0 : i32
    return %c0_i32, %arg0, %c0_i32_0 : i32, i32, i32
  }
  func.func @transform_1(%arg0: i32) -> (i32, i32, i32) {
    %c1_i32 = arith.constant 1 : i32
    %c0_i32 = arith.constant 0 : i32
    %c0_i32_0 = arith.constant 0 : i32
    return %c1_i32, %arg0, %c0_i32 : i32, i32, i32
  }
  func.func @transform_2(%arg0: i32) -> (i32, i32, i32) {
    %c0_i32 = arith.constant 0 : i32
    %c0_i32_0 = arith.constant 0 : i32
    %c0_i32_1 = arith.constant 0 : i32
    return %c0_i32, %arg0, %c0_i32_0 : i32, i32, i32
  }
  func.func @transform_3(%arg0: i32) -> (i32, i32, i32) {
    %c1_i32 = arith.constant 1 : i32
    %c0_i32 = arith.constant 0 : i32
    %c0_i32_0 = arith.constant 0 : i32
    return %c1_i32, %arg0, %c0_i32 : i32, i32, i32
  }
  func.func @transform_4(%arg0: i32) -> (i32, i32) {
    %c0_i32 = arith.constant 0 : i32
    %c0_i32_0 = arith.constant 0 : i32
    return %arg0, %c0_i32 : i32, i32
  }
  func.func @transform_5(%arg0: i32) -> (i32, i32) {
    %c0_i32 = arith.constant 0 : i32
    %c0_i32_0 = arith.constant 0 : i32
    %c0_i32_1 = arith.constant 0 : i32
    return %c0_i32, %c0_i32_0 : i32, i32
  }
  func.func @transform_6(%arg0: i32) -> (i32, i32) {
    %c0_i32 = arith.constant 0 : i32
    %c0_i32_0 = arith.constant 0 : i32
    %c0_i32_1 = arith.constant 0 : i32
    return %c0_i32, %c0_i32_0 : i32, i32
  }
  func.func @transform_7(%arg0: i32) -> (i32, i32) {
    %c0_i32 = arith.constant 0 : i32
    %c0_i32_0 = arith.constant 0 : i32
    %c0_i32_1 = arith.constant 0 : i32
    return %c0_i32, %c0_i32_0 : i32, i32
  }
  func.func @transform_8(%arg0: i32) -> (i32, i32) {
    %c0_i32 = arith.constant 0 : i32
    %c0_i32_0 = arith.constant 0 : i32
    return %arg0, %c0_i32 : i32, i32
  }
  func.func @transform_9(%arg0: i32) -> (i32, i32) {
    %c0_i32 = arith.constant 0 : i32
    %c0_i32_0 = arith.constant 0 : i32
    return %arg0, %c0_i32 : i32, i32
  }
}

module attributes {stable_mosaic.version = 14 : i64} {
  func.func @_fin_body(%arg0: i32, %arg1: memref<1x1000x128xf32, #tpu.memory_space<vmem>>, %arg2: memref<1x1000x128xf32, #tpu.memory_space<vmem>>, %arg3: memref<1x1000x128xf32, #tpu.memory_space<vmem>>, %arg4: memref<1x1000x128xf32, #tpu.memory_space<vmem>>, %arg5: memref<1000x128xf32, #tpu.memory_space<vmem>>, %arg6: memref<1x1000x1xf32, #tpu.memory_space<vmem>>, %arg7: memref<128x128xf32, #tpu.memory_space<vmem>>, %arg8: memref<1x128xf32, #tpu.memory_space<vmem>>, %arg9: memref<128x10xf32, #tpu.memory_space<vmem>>, %arg10: memref<1x10xf32, #tpu.memory_space<vmem>>, %arg11: memref<64x10xf32, #tpu.memory_space<vmem>>, %arg12: memref<64x128xf32, #tpu.memory_space<vmem>>) attributes {dimension_semantics = [#tpu.dimension_semantics<arbitrary>], iteration_bounds = array<i64: 10>, scalar_prefetch = 0 : i64, scratch_operands = 1 : i64, tpu.core_type = #tpu.core_type<tc>, window_params = [{transform_indices = @transform_0, window_bounds = array<i64: 1, 1000, 128>}, {transform_indices = @transform_1, window_bounds = array<i64: 1, 1000, 128>}, {transform_indices = @transform_2, window_bounds = array<i64: 1, 1000, 128>}, {transform_indices = @transform_3, window_bounds = array<i64: 1, 1000, 128>}, {transform_indices = @transform_4, window_bounds = array<i64: 1000, 128>}, {transform_indices = @transform_5, window_bounds = array<i64: 1, 1000, 1>}, {pipeline_mode = #tpu.pipeline_mode<synchronous>, transform_indices = @transform_6, window_bounds = array<i64: 128, 128>}, {pipeline_mode = #tpu.pipeline_mode<synchronous>, transform_indices = @transform_7, window_bounds = array<i64: 1, 128>}, {pipeline_mode = #tpu.pipeline_mode<synchronous>, transform_indices = @transform_8, window_bounds = array<i64: 128, 10>}, {pipeline_mode = #tpu.pipeline_mode<synchronous>, transform_indices = @transform_9, window_bounds = array<i64: 1, 10>}, {pipeline_mode = #tpu.pipeline_mode<synchronous>, transform_indices = @transform_10, window_bounds = array<i64: 64, 10>}]} {
    %eq3A = arith.constant 0 : i32
    %eq3A_0 = arith.cmpi eq, %arg0, %eq3A : i32
    %convert_element_type3A = arith.extui %eq3A_0 : i1 to i32
    %cond3A = arith.constant 0 : i32
    %cond3A_1 = arith.cmpi ne, %convert_element_type3A, %cond3A : i32
    scf.if %cond3A_1 {
      %broadcast_in_dim3A = arith.constant 0xFF800000 : f32
      %broadcast_in_dim3A_47 = vector.broadcast %broadcast_in_dim3A : f32 to vector<64x128xf32>
      %swap3A = arith.constant 0 : index
      %swap3A_48 = arith.constant 0 : index
      %swap3A_49 = vector.load %arg12[%swap3A, %swap3A_48] : memref<64x128xf32, #tpu.memory_space<vmem>>, vector<64x128xf32>
      tpu.vector_store %arg12[%swap3A, %swap3A_48], %broadcast_in_dim3A_47 {strides = array<i32>} : memref<64x128xf32, #tpu.memory_space<vmem>>, vector<64x128xf32>,
    } else {
    }
    %get3A = arith.constant 0 : index
    %get3A_2 = arith.constant 0 : index
    %get3A_3 = arith.constant 0 : index
    %get3A_4 = vector.load %arg1[%get3A, %get3A_2, %get3A_3] : memref<1x1000x128xf32, #tpu.memory_space<vmem>>, vector<1x1000x128xf32>
    %get3A_5 = vector.shape_cast %get3A_4 : vector<1x1000x128xf32> to vector<1000x128xf32>
    %get3A_6 = arith.constant 0 : index
    %get3A_7 = arith.constant 0 : index
    %get3A_8 = arith.constant 0 : index
    %get3A_9 = vector.load %arg2[%get3A_6, %get3A_7, %get3A_8] : memref<1x1000x128xf32, #tpu.memory_space<vmem>>, vector<1x1000x128xf32>
    %get3A_10 = vector.shape_cast %get3A_9 : vector<1x1000x128xf32> to vector<1000x128xf32>
    %add3A = arith.addf %get3A_5, %get3A_10 : vector<1000x128xf32>
    %get3A_11 = arith.constant 0 : index
    %get3A_12 = arith.constant 0 : index
    %get3A_13 = arith.constant 0 : index
    %get3A_14 = vector.load %arg3[%get3A_11, %get3A_12, %get3A_13] : memref<1x1000x128xf32, #tpu.memory_space<vmem>>, vector<1x1000x128xf32>
    %get3A_15 = vector.shape_cast %get3A_14 : vector<1x1000x128xf32> to vector<1000x128xf32>
    %slice3A = vector.extract_strided_slice %get3A_15 {offsets = [0, 0], sizes = [1000, 1], strides = [1, 1]} : vector<1000x128xf32> to vector<1000x1xf32>
    %get3A_16 = arith.constant 0 : index
    %get3A_17 = arith.constant 0 : index
    %get3A_18 = arith.constant 0 : index
    %get3A_19 = vector.load %arg4[%get3A_16, %get3A_17, %get3A_18] : memref<1x1000x128xf32, #tpu.memory_space<vmem>>, vector<1x1000x128xf32>
    %get3A_20 = vector.shape_cast %get3A_19 : vector<1x1000x128xf32> to vector<1000x128xf32>
    %slice3A_21 = vector.extract_strided_slice %get3A_20 {offsets = [0, 0], sizes = [1000, 1], strides = [1, 1]} : vector<1000x128xf32> to vector<1000x1xf32>
    %add3A_22 = arith.addf %slice3A, %slice3A_21 : vector<1000x1xf32>
    %max3A = arith.constant 1.000000e+00 : f32
    %max3A_23 = vector.broadcast %max3A : f32 to vector<1000x1xf32>
    %max3A_24 = arith.maximumf %add3A_22, %max3A_23 : vector<1000x1xf32>
    %div3A = vector.broadcast %max3A_24 : vector<1000x1xf32> to vector<1000x128xf32>
    %div3A_25 = arith.divf %add3A, %div3A : vector<1000x128xf32>
    %get3A_26 = arith.constant 0 : index
    %get3A_27 = arith.constant 0 : index
    %get3A_28 = vector.load %arg5[%get3A_26, %get3A_27] : memref<1000x128xf32, #tpu.memory_space<vmem>>, vector<1000x128xf32>
    %add3A_29 = arith.addf %div3A_25, %get3A_28 : vector<1000x128xf32>
    %max3A_30 = arith.constant 0.000000e+00 : f32
    %max3A_31 = vector.broadcast %max3A_30 : f32 to vector<1000x128xf32>
    %max3A_32 = arith.maximumf %add3A_29, %max3A_31 : vector<1000x128xf32>
    %get3A_33 = arith.constant 0 : index
    %get3A_34 = arith.constant 0 : index
    %get3A_35 = arith.constant 0 : index
    %get3A_36 = vector.load %arg6[%get3A_33, %get3A_34, %get3A_35] : memref<1x1000x1xf32, #tpu.memory_space<vmem>>, vector<1x1000x1xf32>
    %get3A_37 = vector.shape_cast %get3A_36 : vector<1x1000x1xf32> to vector<1000x1xf32>
    %scan3A = arith.constant 0 : i32
    %scan3A_38 = arith.constant 64 : i32
    %scan3A_39 = arith.addi %scan3A, %scan3A_38 : i32
    %scan3A_40 = arith.constant 1 : i32
    scf.for %scan3A_47 = %scan3A to %scan3A_39 step %scan3A_40  : i32 {
      %convert_element_type3A_48 = arith.sitofp %scan3A_47 : i32 to f32
      %eq3A_49 = vector.broadcast %convert_element_type3A_48 : f32 to vector<1000x1xf32>
      %eq3A_50 = arith.cmpf oeq, %get3A_37, %eq3A_49 : vector<1000x1xf32>
      %jit3A = arith.constant 0xFF800000 : f32
      %broadcast_in_dim3A = vector.shape_cast %eq3A_50 : vector<1000x1xi1> to vector<1000x1xi1>
      %broadcast_in_dim3A_51 = vector.broadcast %broadcast_in_dim3A : vector<1000x1xi1> to vector<1000x128xi1>
      %broadcast_in_dim3A_52 = vector.broadcast %jit3A : f32 to vector<1000x128xf32>
      %select_n3A = arith.select %broadcast_in_dim3A_51, %max3A_32, %broadcast_in_dim3A_52 : vector<1000x128xi1>, vector<1000x128xf32>
      %reduce_max3A = arith.constant dense<0xFF800000> : vector<128xf32>
      %reduce_max3A_53 = vector.multi_reduction <maximumf>, %select_n3A, %reduce_max3A [0] : vector<1000x128xf32> to vector<128xf32>
      %broadcast_in_dim3A_54 = vector.shape_cast %reduce_max3A_53 : vector<128xf32> to vector<1x128xf32>
      %get3A_55 = arith.index_cast %scan3A_47 : i32 to index
      %get3A_56 = arith.constant 0 : index
      %get3A_57 = vector.load %arg12[%get3A_55, %get3A_56] : memref<64x128xf32, #tpu.memory_space<vmem>>, vector<1x128xf32>
      %max3A_58 = arith.maximumf %get3A_57, %broadcast_in_dim3A_54 : vector<1x128xf32>
      %swap3A = arith.index_cast %scan3A_47 : i32 to index
      %swap3A_59 = arith.constant 0 : index
      %swap3A_60 = vector.load %arg12[%swap3A, %swap3A_59] : memref<64x128xf32, #tpu.memory_space<vmem>>, vector<1x128xf32>
      tpu.vector_store %arg12[%swap3A, %swap3A_59], %max3A_58 {strides = array<i32>} : memref<64x128xf32, #tpu.memory_space<vmem>>, vector<1x128xf32>,
    }
    %scan3A_41 = arith.constant 64 : i32
    %eq3A_42 = arith.constant 9 : i32
    %eq3A_43 = arith.cmpi eq, %arg0, %eq3A_42 : i32
    %convert_element_type3A_44 = arith.extui %eq3A_43 : i1 to i32
    %cond3A_45 = arith.constant 0 : i32
    %cond3A_46 = arith.cmpi ne, %convert_element_type3A_44, %cond3A_45 : i32
    scf.if %cond3A_46 {
      %get3A_47 = arith.constant 0 : index
      %get3A_48 = arith.constant 0 : index
      %get3A_49 = vector.load %arg12[%get3A_47, %get3A_48] : memref<64x128xf32, #tpu.memory_space<vmem>>, vector<64x128xf32>
      %is_finite3A = tpu.weird %get3A_49 : vector<64x128xf32> -> vector<64x128xi1>
      %is_finite3A_50 = arith.constant dense<true> : vector<64x128xi1>
      %is_finite3A_51 = arith.xori %is_finite3A, %is_finite3A_50 : vector<64x128xi1>
      %jit3A = arith.constant 0.000000e+00 : f32
      %broadcast_in_dim3A = vector.broadcast %jit3A : f32 to vector<64x128xf32>
      %select_n3A = arith.select %is_finite3A_51, %get3A_49, %broadcast_in_dim3A : vector<64x128xi1>, vector<64x128xf32>
      %get3A_52 = arith.constant 0 : index
      %get3A_53 = arith.constant 0 : index
      %get3A_54 = vector.load %arg7[%get3A_52, %get3A_53] : memref<128x128xf32, #tpu.memory_space<vmem>>, vector<128x128xf32>
      %dot_general3A = arith.constant dense<0.000000e+00> : vector<64x128xf32>
      %dot_general3A_55 = tpu.matmul %select_n3A, %get3A_54, %dot_general3A {dimension_numbers = #tpu.dot_dimension_numbers<[1], [0], [0], [1], [0, 0, 1, 1], [], []>, transpose_lhs_hint = false} : vector<64x128xf32>, vector<128x128xf32>, vector<64x128xf32> -> vector<64x128xf32>
      %get3A_56 = arith.constant 0 : index
      %get3A_57 = arith.constant 0 : index
      %get3A_58 = vector.load %arg8[%get3A_56, %get3A_57] : memref<1x128xf32, #tpu.memory_space<vmem>>, vector<1x128xf32>
      %add3A_59 = vector.broadcast %get3A_58 : vector<1x128xf32> to vector<64x128xf32>
      %add3A_60 = arith.addf %dot_general3A_55, %add3A_59 : vector<64x128xf32>
      %get3A_61 = arith.constant 0 : index
      %get3A_62 = arith.constant 0 : index
      %get3A_63 = vector.load %arg9[%get3A_61, %get3A_62] : memref<128x10xf32, #tpu.memory_space<vmem>>, vector<128x10xf32>
      %dot_general3A_64 = arith.constant dense<0.000000e+00> : vector<64x10xf32>
      %dot_general3A_65 = tpu.matmul %add3A_60, %get3A_63, %dot_general3A_64 {dimension_numbers = #tpu.dot_dimension_numbers<[1], [0], [0], [1], [0, 0, 1, 1], [], []>, transpose_lhs_hint = false} : vector<64x128xf32>, vector<128x10xf32>, vector<64x10xf32> -> vector<64x10xf32>
      %get3A_66 = arith.constant 0 : index
      %get3A_67 = arith.constant 0 : index
      %get3A_68 = vector.load %arg10[%get3A_66, %get3A_67] : memref<1x10xf32, #tpu.memory_space<vmem>>, vector<1x10xf32>
      %add3A_69 = vector.broadcast %get3A_68 : vector<1x10xf32> to vector<64x10xf32>
      %add3A_70 = arith.addf %dot_general3A_65, %add3A_69 : vector<64x10xf32>
      %swap3A = arith.constant 0 : index
      %swap3A_71 = arith.constant 0 : index
      %swap3A_72 = vector.load %arg11[%swap3A, %swap3A_71] : memref<64x10xf32, #tpu.memory_space<vmem>>, vector<64x10xf32>
      tpu.vector_store %arg11[%swap3A, %swap3A_71], %add3A_70 {strides = array<i32>} : memref<64x10xf32, #tpu.memory_space<vmem>>, vector<64x10xf32>,
    } else {
    }
    return
  }
  func.func @transform_0(%arg0: i32) -> (i32, i32, i32) {
    %c0_i32 = arith.constant 0 : i32
    %c0_i32_0 = arith.constant 0 : i32
    %c0_i32_1 = arith.constant 0 : i32
    return %c0_i32, %arg0, %c0_i32_0 : i32, i32, i32
  }
  func.func @transform_1(%arg0: i32) -> (i32, i32, i32) {
    %c1_i32 = arith.constant 1 : i32
    %c0_i32 = arith.constant 0 : i32
    %c0_i32_0 = arith.constant 0 : i32
    return %c1_i32, %arg0, %c0_i32 : i32, i32, i32
  }
  func.func @transform_2(%arg0: i32) -> (i32, i32, i32) {
    %c0_i32 = arith.constant 0 : i32
    %c0_i32_0 = arith.constant 0 : i32
    %c0_i32_1 = arith.constant 0 : i32
    return %c0_i32, %arg0, %c0_i32_0 : i32, i32, i32
  }
  func.func @transform_3(%arg0: i32) -> (i32, i32, i32) {
    %c1_i32 = arith.constant 1 : i32
    %c0_i32 = arith.constant 0 : i32
    %c0_i32_0 = arith.constant 0 : i32
    return %c1_i32, %arg0, %c0_i32 : i32, i32, i32
  }
  func.func @transform_4(%arg0: i32) -> (i32, i32) {
    %c0_i32 = arith.constant 0 : i32
    %c0_i32_0 = arith.constant 0 : i32
    return %arg0, %c0_i32 : i32, i32
  }
  func.func @transform_5(%arg0: i32) -> (i32, i32, i32) {
    %c0_i32 = arith.constant 0 : i32
    %c0_i32_0 = arith.constant 0 : i32
    %c0_i32_1 = arith.constant 0 : i32
    return %arg0, %c0_i32, %c0_i32_0 : i32, i32, i32
  }
  func.func @transform_6(%arg0: i32) -> (i32, i32) {
    %c0_i32 = arith.constant 0 : i32
    %c0_i32_0 = arith.constant 0 : i32
    %c0_i32_1 = arith.constant 0 : i32
    return %c0_i32, %c0_i32_0 : i32, i32
  }
  func.func @transform_7(%arg0: i32) -> (i32, i32) {
    %c0_i32 = arith.constant 0 : i32
    %c0_i32_0 = arith.constant 0 : i32
    %c0_i32_1 = arith.constant 0 : i32
    return %c0_i32, %c0_i32_0 : i32, i32
  }
  func.func @transform_8(%arg0: i32) -> (i32, i32) {
    %c0_i32 = arith.constant 0 : i32
    %c0_i32_0 = arith.constant 0 : i32
    %c0_i32_1 = arith.constant 0 : i32
    return %c0_i32, %c0_i32_0 : i32, i32
  }
  func.func @transform_9(%arg0: i32) -> (i32, i32) {
    %c0_i32 = arith.constant 0 : i32
    %c0_i32_0 = arith.constant 0 : i32
    %c0_i32_1 = arith.constant 0 : i32
    return %c0_i32, %c0_i32_0 : i32, i32
  }
  func.func @transform_10(%arg0: i32) -> (i32, i32) {
    %c0_i32 = arith.constant 0 : i32
    %c0_i32_0 = arith.constant 0 : i32
    %c0_i32_1 = arith.constant 0 : i32
    return %c0_i32, %c0_i32_0 : i32, i32
  }
}

</mosaic_0001>

<sc_bundles>
// kernel: kernel.10.cloned.1.call-start
scs
__scs_entry_jumppad:
0x0: {  	(pc) =	sbr.rel $0x88, $3  }
0x1: {  	(tag) =	ssettag $0x0;
	lr =	simm.s32 $0x1  }
0x2: {  	[smem:$0x3F93] =	sst lr;
	_ =	strace $0xD0000000  }
0x3: {  	_ = 	snop  }
0x4: {  	_ = 	snop  }
0x5: {  	_ = 	snop  }
0x6: {  	_ = 	snop  }
0x7: {  	_ = 	snop  }
__scs_overlays_trampoline_lowered:
0x8: {  	[smem:$0x3FA2] =	sst s0  }
0x9: {  	[smem:$0x3FA3] =	sst s1  }
0xa: {  	[smem:$0x3FA4] =	sst s2  }
0xb: {  	[smem:$0x3FA5] =	sst s3  }
0xc: {  	[smem:$0x3FA6] =	sst s4  }
0xd: {  	[smem:$0x3FA7] =	sst s5  }
0xe: {  	[smem:$0x3FA8] =	sst s6  }
0xf: {  	[smem:$0x3FA9] =	sst s7  }
0x10: {  	[smem:$0x3FAA] =	sst s8  }
0x11: {  	[smem:$0x3FAB] =	sst s9;
	s0 =	simm.s32 @!p0 $0x0  }
0x12: {  	s1 =	sld [smem:$0x3F91];
	s0 =	simm.s32 @p0 $0x1  }
0x13: {  	[smem:$0x3FAC] =	sst s0;
	s0 =	simm.s32 @!p1 $0x0  }
0x14: {  	s2 =	sld [smem:$0x3F90];
	s0 =	simm.s32 @p1 $0x1  }
0x15: {  	[smem:$0x3FAD] =	sst s0;
	s0 =	simm.s32 @!p2 $0x0  }
0x16: {  	s3 =	sld [smem:$0x3FDB];
	s0 =	simm.s32 @p2 $0x1  }
0x17: {  	s4 =	simm.s32 $0x1BF5;
	[smem:$0x3FAF] =	sst s0  }
0x18: {  	s0 =	sld [smem:$0x3F92];
	_ =	swait.ge [sflag:s4], $0x0  }
0x19: {  	s7 =	sld [smem:$0x3F93]  }
0x1a: {  	s8 =	sadd.s32 $0xFFFFE003, lr  }
0x1b: {  	s9 =	sadd.s32 $0xFFFFFEF7, lr;
	s5 =	simm.s32 $0xFFFFFFFF;
	p2 =	slt.u32 s8, $0xFFFFF086  }
0x1c: {  	p1 =	slt.u32 s9, $0xF7A;
	s5 =	simm.s32 @!p2 $0x0  }
0x1d: {  	s5 =	simm.s32 @p1 $0x1;
	p0 =	seq.s32 s7, s2  }
0x1e: {  	s7 =	smul.u32 @!p0 $0xF7A, s2;
	p2 =	seq.s32 @!p0 s5, $0x0  }
0x1f: {  	s9 =	smul.u32 $0xF7A, s1;
	s8 =	simm.s32 @!p0 $0x1BF5;
	p2 =	por !p2, p0  }
0x20: {  	[sflag:s8] =	ssyncset.s32 @!p0 $0xFFFFF086;
	s6 =	sadd.s32 @!p0 s3, s7;
	s7 =	simm.s32 @!p0 $0x108  }
0x21: {  	s3 =	sadd.s32 s3, s9;
	s6 =	sadd.s32 @!p0 $0x88, s6;
	s7 =	simm.s32 @p2 $0x1082  }
0x22: {  	[simem:s7], [sflag:s8] =	dma.local @!p0 [hbm:s6], $0xF7A  }
0x23: {  	s9 =	sor.u32 $0xD0000000, s2;
	s6 =	simm.s32 $0x108;
	_ =	swait.ge @!p0 [sflag:s8], $0x0  }
0x24: {  	s3 =	sadd.s32 $0x88, s3;
	s6 =	simm.s32 @!p1 $0x1082;
	[sflag:s4] =	ssyncset.s32 $0xFFFFF086  }
0x25: {  	[simem:s6], [sflag:s4] =	dma.local [hbm:s3], $0xF7A  }
0x26: {  	[smem:$0x3F93] =	sst s1;
	(tag) =	ssettag s2;
	_ =	strace s9  }
0x27: {  	s1 =	sld [smem:$0x3FA3]  }
0x28: {  	s2 =	sld [smem:$0x3FA4]  }
0x29: {  	s4 =	sld [smem:$0x3FA6]  }
0x2a: {  	p0 =	seq.s32 s5, $0x0;
	s5 =	sld [smem:$0x3FA7]  }
0x2b: {  	s6 =	sld [smem:$0x3FA8]  }
0x2c: {  	s7 =	sld [smem:$0x3FA9]  }
0x2d: {  	s3 =	simm.s32 $0x108;
	s8 =	sld [smem:$0x3FAA]  }
0x2e: {  	s3 =	simm.s32 @!p0 $0x1082;
	s9 =	sld [smem:$0x3FAB]  }
0x2f: {  	lr =	sadd.s32 s0, s3;
	s0 =	sld [smem:$0x3FA2]  }
0x30: {  	s3 =	sld [smem:$0x3FA5]  }
0x31: {  	[smem:$0x3FAE] =	sst s10  }
0x32: {  	s10 =	sld [smem:$0x3FAC];
	_ =	sdelay $0x3  }
0x33: {  	p0 =	seq.s32 s10, $0x1;
	s10 =	sld [smem:$0x3FAE];
	_ =	sdelay $0x3  }
0x34: {  	[smem:$0x3FAE] =	sst s10  }
0x35: {  	s10 =	sld [smem:$0x3FAD];
	_ =	sdelay $0x3  }
0x36: {  	p1 =	seq.s32 s10, $0x1;
	s10 =	sld [smem:$0x3FAE];
	_ =	sdelay $0x3  }
0x37: {  	[smem:$0x3FAE] =	sst s10  }
0x38: {  	s10 =	sld [smem:$0x3FAF]  }
0x39: {  	_ = 	snop;
	(pc) =	sbr.ind lr, $3  }
0x3a: {  	_ = 	snop  }
0x3b: {  	_ = 	snop  }
0x3c: {  	p2 =	seq.s32 s10, $0x1;
	s10 =	sld [smem:$0x3FAE]  }
0x3d: {  	_ =	shalt  }
0x3e: {  	_ =	shalt  }
0x3f: {  	_ =	shalt  }
0x40: {  	_ =	shalt  }
0x41: {  	_ =	shalt  }
0x42: {  	_ =	shalt  }
0x43: {  	_ =	shalt  }
0x44: {  	_ =	shalt  }
0x45: {  	_ =	shalt  }
0x46: {  	_ =	shalt  }
0x47: {  	_ =	shalt  }
0x48: {  	_ =	shalt  }
0x49: {  	_ =	shalt  }
0x4a: {  	_ =	shalt  }
0x4b: {  	_ =	shalt  }
0x4c: {  	_ =	shalt  }
0x4d: {  	_ =	shalt  }
0x4e: {  	_ =	shalt  }
0x4f: {  	_ =	shalt  }
0x50: {  	_ =	shalt  }
0x51: {  	_ =	shalt  }
0x52: {  	_ =	shalt  }
0x53: {  	_ =	shalt  }
0x54: {  	_ =	shalt  }
0x55: {  	_ =	shalt  }
0x56: {  	_ =	shalt  }
0x57: {  	_ =	shalt  }
0x58: {  	_ =	shalt  }
0x59: {  	_ =	shalt  }
0x5a: {  	_ =	shalt  }
0x5b: {  	_ =	shalt  }
0x5c: {  	_ =	shalt  }
0x5d: {  	_ =	shalt  }
0x5e: {  	_ =	shalt  }
0x5f: {  	_ =	shalt  }
0x60: {  	_ =	shalt  }
0x61: {  	_ =	shalt  }
0x62: {  	_ =	shalt  }
0x63: {  	_ =	shalt  }
0x64: {  	_ =	shalt  }
0x65: {  	_ =	shalt  }
0x66: {  	_ =	shalt  }
0x67: {  	_ =	shalt  }
0x68: {  	_ =	shalt  }
0x69: {  	_ =	shalt  }
0x6a: {  	_ =	shalt  }
0x6b: {  	_ =	shalt  }
0x6c: {  	_ =	shalt  }
0x6d: {  	_ =	shalt  }
0x6e: {  	_ =	shalt  }
0x6f: {  	_ =	shalt  }
0x70: {  	_ =	shalt  }
0x71: {  	_ =	shalt  }
0x72: {  	_ =	shalt  }
0x73: {  	_ =	shalt  }
0x74: {  	_ =	shalt  }
0x75: {  	_ =	shalt  }
0x76: {  	_ =	shalt  }
0x77: {  	_ =	shalt  }
0x78: {  	_ =	shalt  }
0x79: {  	_ =	shalt  }
0x7a: {  	_ =	shalt  }
0x7b: {  	_ =	shalt  }
0x7c: {  	_ =	shalt  }
0x7d: {  	_ =	shalt  }
0x7e: {  	_ =	shalt  }
0x7f: {  	_ =	shalt  }
0x80: {  	_ =	shalt  }
0x81: {  	_ =	shalt  }
0x82: {  	_ =	shalt  }
0x83: {  	_ =	shalt  }
0x84: {  	_ =	shalt  }
0x85: {  	_ =	shalt  }
0x86: {  	_ =	shalt  }
0x87: {  	_ =	shalt  }
.Lfunc_end0:
.L_simem_size_0:
called_computation.1_lowered:
.L_overlay_start_0:
0x88: {  	s2 =	sld [smem:$0x3FD9]  }
0x89: {  	s3 =	sld [smem:$0x3FFE];
	_ =	sdelay $0x1  }
0x8a: {  	s1 =	srdreg.scid  }
0x8b: {  	s0 =	sand.u32 $0x1, s1  }
0x8c: {  	s16 =	sshll.u32 s0, $0xA;
	s2 =	sadd.s32 s3, s2  }
0x8d: {  	s2 =	sadd.s32 s2, s16  }
0x8e: {  	[smem:$0x3FBA] =	sst s2  }
0x8f: {  	_ = 	snop  }
0x90: {  	(tm) =	ssettm $0x1  }
0x91: {  	s17 =	sld [smem:$0x3FFB];
	_ =	sdelay $0x3  }
0x92: {  	_ =	strace s17  }
0x93: {  	s2 =	sld [smem:$0x3FFC];
	_ =	sdelay $0x3  }
0x94: {  	_ =	strace s2  }
0x95: {  	s2 =	sld [smem:$0x3FFD];
	_ =	sdelay $0x3  }
0x96: {  	_ =	strace s2  }
0x97: {  	_ =	strace $0x8FFFFFFF  }
0x98: {  	s18 =	sld [smem:$0x3FDB];
	_ =	sdelay $0x1  }
0x99: {  	s19 =	simm.s32 $_scs_section_size  }
0x9a: {  	s4 =	simm.s32 $_size__tile_overlayer_lowered;
	s5 =	simm.s32 $_tile_overlayer_lowered  }
0x9b: {  	s22 =	simm.s32 $0x1BFF;
	s21 =	sshll.u32 s5, $0x1;
	s2 =	sadd.s32 s19, s18  }
0x9c: {  	s6 =	simm.s32 $0x0;
	s20 =	sshll.u32 s4, $0x1;
	s4 =	sadd.s32 s21, s2  }
0x9d: {  	[timem:s6], [sflag:s22] =	dma.local [hbm:s4], s20  }
0x9e: {  	_ =	swait.ge [sflag:s22], s20  }
0x9f: {  	s3 =	ssub.s32 $0x0, s20;
	[sflag:s22] =	ssyncset.done $0x0  }
0xa0: {  	[sflag:s22] =	ssyncadd.s32 s3;
	_ =	sdelay $0x1  }
0xa1: {  	s23 =	simm.s32 $0x1B8B  }
0xa2: {  	_ =	swait.ge [sflag:s23], $0x1  }
0xa3: {  	[sflag:s23] =	ssyncset.done $0x0  }
0xa4: {  	s25 =	simm.s32 $0x1B8E;
	s24 =	sld [smem:$0x3FFE];
	[sflag:s23] =	ssyncadd.s32 $0xFFFFFFFF  }
0xa5: {  	s26 =	simm.s32 $execute0_lowered;
	[smem:$0x3FD2] =	sst s25  }
0xa6: {  	s4 =	sshll.u32 s26, $0x1;
	_ =	strace $0x80000049;
	[dreg:$0x1] =	wrdreg $0xFFFFFFFF  }
0xa7: {  	s28 =	simm.s32 $_size_execute0_lowered;
	s2 =	sadd.s32 s2, s4;
	[dreg:$0x0] =	wrdreg $0x0  }
0xa8: {  	s4 =	sshll.u32 s28, $0x1;
	[dreg:$0x2] =	wrdreg s2  }
0xa9: {  	[dreg:$0x3] =	wrdreg s4  }
0xaa: {  	[dreg:$0x4] =	wrdreg $0xC0  }
0xab: {  	_ =	task [dreg:s6], $0x5FFFF  }
0xac: {  	[dreg:$0x1] =	wrdreg $0xFFFFFFFF  }
0xad: {  	[dreg:$0x0] =	wrdreg $0x60  }
0xae: {  	[dreg:$0x2] =	wrdreg s24  }
0xaf: {  	[dreg:$0x3] =	wrdreg $0x70000  }
0xb0: {  	[dreg:$0x4] =	wrdreg $0x9  }
0xb1: {  	_ =	task.clear_ibuf [dreg:s6], $0x5FFFF;
	_ =	strace $0x90000049  }
0xb2: {  	s29 =	simm.s32 $0x9;
	_ =	strace $0x8000004B  }
0xb3: {  	_ =	swait.ge [sflag:s29], $0x1  }
0xb4: {  	[sflag:s29] =	ssyncadd.s32 $0xFFFFFFFF  }
0xb5: {  	_ =	strace $0x9000004B  }
0xb6: {  	_ =	sfence  }
0xb7: {  	s30 =	sld [smem:$0x0];
	_ =	sdelay $0x2  }
0xb8: {  	s31 =	sshll.u32 s1, $0xD;
	s1 =	sshrl.u32 s1, $0x2  }
0xb9: {  	s3 =	sand.u32 $0x4000, s31;
	s1 =	sadd.s32 s1, s30  }
0xba: {  	s0 =	sor.u32 s3, s0;
	s1 =	sshll.u32 s1, $0x11  }
0xbb: {  	s0 =	sor.u32 s1, s0  }
0xbc: {  	s0 =	sadd.s32 $0x8F2B, s0  }
0xbd: {  	[sflag:s0] =	ssyncadd.remote.s32 $0x1  }
0xbe: {  	_ =	sfence.sel $0xFFFF  }
0xbf: {  	[dreg:$0x0] =	wrdreg $0xFFFFFFFF;
	(pc) =	sbr.abs _section_cstart, $3  }
0xc0: {  	[dreg:$0x1] =	wrdreg $0xFFFFFFFF  }
0xc1: {  	_ =	task.clear_ibuf [dreg:s6], $0x2FFFF;
	_ =	strace $0x9FFFFFFF  }
0xc2: {  	(tm) =	ssettm $0x7FFFFFFF  }
0xc3: {  	_ =	shalt  }
tec
execute0_lowered:
.L_overlay_start_1:
0x0: {  	(tag) =	ssettag $0x1  }
0x1: {  	s0 =	rddreg [dreg:$0x0]  }
0x2: {  	s2 =	rddreg [dreg:$0x1]  }
0x3: {  	s1 =	stileid.u32;
	s3 =	simm.s32 $0x0;
	s5 =	srdreg.scid  }
0x4: {  	s28 =	simm.s32 $0x2;
	s29 =	simm.s32 $0x1C00;
	s4 =	smul.u32 $0x2800, s1  }
0x5: {  	[smem:$0x7FF] =	sst s3;
	s7 =	sand.u32 $0x1, s5;
	s11 =	smul.u32 $0x50000, s1  }
0x6: {  	s5 =	sadd.s32 $0x17200, s0;
	s6 =	sadd.s32 $0x2B200, s0;
	s14 =	smul.u32 $0x14000, s1  }
0x7: {  	s22 =	sshll.u32 s1, $0x6;
	_ =	strace $0x8000004A;
	s9 =	ssub.s32 $0x2, s7  }
0x8: {  	s15 =	smul.u32 $0x140000, s7;
	s7 =	sshll.u32 s7, $0x4;
	s8 =	sadd.s32 s4, s0  }
0x9: {  	s4 =	sadd.s32 $0x3200, s0;
	s10 =	sshrl.u32 s9, $0x1;
	s0 =	sadd.s32 $0x7A400, s0  }
0xa: {  	s19 =	sshrl.u32 s11, $0x2;
	s20 =	sor.u32 s1, s7;
	s16 =	sadd.s32 $0x4000, s14  }
0xb: {  	s17 =	sadd.s32 $0x8000, s14;
	s18 =	sadd.s32 $0xC000, s14;
	s12 =	ssub.s32 s9, s10  }
0xc: {  	s21 =	sadd.s32 s19, s2;
	s8 =	sadd.s32 $0x52400, s8;
	s23 =	sadd.s32 s15, s14  }
0xd: {  	s9 =	sor.u32 $0x1C03, s22;
	s13 =	sadd.s32 s15, s16;
	s10 =	smul.u32 $0x5000, s20  }
0xe: {  	s22 =	sadd.s32 s16, s2;
	s24 =	sadd.s32 s15, s17;
	s19 =	sadd.s32 s15, s18  }
0xf: {  	s20 =	sadd.s32 $0x10000, s14;
	[dreg:$0x3] =	wrdreg s21;
	s11 =	sshrl.u32 s23, $0x3  }
0x10: {  	s13 =	sshrl.u32 s13, $0x3;
	s12 =	smax.u32 s12, $0x1;
	s16 =	sshrl.u32 s24, $0x3  }
0x11: {  	s25 =	sshrl.u32 s19, $0x3;
	s26 =	sadd.s32 s15, s20;
	s23 =	sadd.s32 s17, s2  }
0x12: {  	s24 =	sadd.s32 s18, s2;
	s31 =	sadd.s32 s20, s2;
	s17 =	simm.s32 $0x3  }
0x13: {  	s18 =	simm.s32 $0x1000;
	s19 =	simm.s32 $0x50;
	s20 =	simm.s32 $0x2000  }
0x14: {  	s21 =	simm.s32 $0x1;
	s22 =	sshrl.u32 s22, $0x3;
	s11 =	sadd.s32 s0, s11  }
0x15: {  	s13 =	sadd.s32 s0, s13;
	s14 =	sadd.s32 s0, s16;
	s15 =	sadd.s32 s0, s25  }
0x16: {  	s30 =	sshrl.u32 s26, $0x3;
	s23 =	sshrl.u32 s23, $0x3;
	s24 =	sshrl.u32 s24, $0x3  }
0x17: {  	s25 =	sshrl.u32 s31, $0x3;
	s26 =	simm.s32 $0x4800;
	s16 =	sadd.s32 s0, s30  }
.LBB2_1:
0x18: {  	s0 =	rddreg [dreg:$0x3]  }
0x19: {  	s30 =	sshrl.u32 s0, $0x3  }
0x1a: {  	[spmem:s30], [sflag:s9] =	dma.local [hbm:s8], $0x2800  }
0x1b: {  	_ =	swait.ge [sflag:s17], $0x2800  }
0x1c: {  	[sflag:s17] =	ssyncset.done $0x0  }
0x1d: {  	[sflag:s17] =	ssyncadd.s32 $0xFFFFD800  }
0x1e: {  	s31 =	simm.s32 $0x0;
	[bflag:$0x0] =	sbarrier.arrive $0xFFFF  }
.LBB2_2:
0x1f: {  	s0 =	sshll.u32 s31, $0xC  }
0x20: {  	s0 =	sadd.s32 s10, s0  }
0x21: {  	s0 =	sshrl.u32 s0, $0x3  }
0x22: {  	s7 =	simm.s32 $0x0;
	s1 =	sadd.s32 s4, s0  }
0x23: {  	[tilespmem:s7], [sflag:$0x3] =	stream.linear.gather [hbm4b:s1+s7], $0xC80, $0x38;
	[tilespmem:$0x1B000] =	vst v63  }
0x24: {  	_ =	swait.ge [sflag:s17], $0xC80  }
0x25: {  	[sflag:s17] =	ssyncset.done $0x0  }
0x26: {  	s0 =	sadd.s32 s5, s0;
	[sflag:s17] =	ssyncadd.s32 $0xFFFFF380  }
0x27: {  	[tilespmem:s18], [sflag:$0x3] =	stream.linear.gather [hbm4b:s0+s7], $0xC80, $0x38;
	[tilespmem:$0x1B000] =	vst v63  }
0x28: {  	_ =	swait.ge [sflag:s17], $0xC80  }
0x29: {  	[sflag:s17] =	ssyncset.done $0x0  }
0x2a: {  	[sflag:s17] =	ssyncadd.s32 $0xFFFFF380  }
0x2b: {  	[tilespmem:s20], [sflag:$0x1] =	stream.indirect.gather [hbm4b:s6+s19], $0x80, s7, s19, $0xb8;
	[tilespmem:$0x1B000] =	vst v63  }
0x2c: {  	_ =	swait.ge [sflag:s21], $0x2800  }
0x2d: {  	[sflag:s21] =	ssyncset.done $0x0  }
0x2e: {  	s1 =	simm.s32 $0x80;
	[sflag:s21] =	ssyncadd.s32 $0xFFFFD800  }
0x2f: {  	[tilespmem:s26], [sflag:$0x2] =	stream.indirect.gather [hbm4b:s6+s19], $0x80, s1, s19, $0xb8;
	[tilespmem:$0x1B000] =	vst v63  }
0x30: {  	s7 =	simm.s32 $0x1000  }
0x31: {  	[spmem:s2] =	stream.indirect.scatter.add.f32 [tilespmem:s20], [sflag:$0x3], $0x80, s7, s19, $0xb8;
	[tilespmem:$0x1B000] =	vst v63  }
0x32: {  	_ =	swait.ge [sflag:s17], $0x2800  }
0x33: {  	[sflag:s17] =	ssyncset.done $0x0  }
0x34: {  	[sflag:s17] =	ssyncadd.s32 $0xFFFFD800  }
0x35: {  	_ =	swait.ge [sflag:s28], $0x2800  }
0x36: {  	[sflag:s28] =	ssyncset.done $0x0  }
0x37: {  	s1 =	simm.s32 $0x100;
	[sflag:s28] =	ssyncadd.s32 $0xFFFFD800  }
0x38: {  	[tilespmem:s20], [sflag:$0x1] =	stream.indirect.gather [hbm4b:s6+s19], $0x80, s1, s19, $0xb8;
	[tilespmem:$0x1B000] =	vst v63  }
0x39: {  	s7 =	simm.s32 $0x1080  }
0x3a: {  	[spmem:s2] =	stream.indirect.scatter.add.f32 [tilespmem:s26], [sflag:$0x3], $0x80, s7, s19, $0xb8;
	[tilespmem:$0x1B000] =	vst v63  }
0x3b: {  	_ =	swait.ge [sflag:s17], $0x2800  }
0x3c: {  	s0 =	simm.s32 $0x400;
	[sflag:s17] =	ssyncset.done $0x0  }
.LBB2_3:
0x3d: {  	p0 =	sne.s32 s0, $0x2C00  }
0x3e: {  	[sflag:s17] =	ssyncadd.s32 $0xFFFFD800;
	s1 =	smov.u32 s0;
	s0 =	sadd.s32 $0x400, s0  }
0x3f: {  	_ = 	snop  }
0x40: {  	_ =	swait.ge [sflag:s21], $0x2800  }
0x41: {  	s1 =	sshra.s32 s1, $0x2;
	[sflag:s21] =	ssyncset.done $0x0  }
0x42: {  	s7 =	sadd.s32 $0x80, s1;
	[sflag:s21] =	ssyncadd.s32 $0xFFFFD800  }
0x43: {  	[tilespmem:s26], [sflag:$0x2] =	stream.indirect.gather [hbm4b:s6+s19], $0x80, s7, s19, $0xb8;
	[tilespmem:$0x1B000] =	vst v63  }
0x44: {  	s7 =	sadd.s32 $0x1000, s1  }
0x45: {  	[spmem:s2] =	stream.indirect.scatter.add.f32 [tilespmem:s20], [sflag:$0x3], $0x80, s7, s19, $0xb8;
	[tilespmem:$0x1B000] =	vst v63  }
0x46: {  	_ =	swait.ge [sflag:s17], $0x2800  }
0x47: {  	[sflag:s17] =	ssyncset.done $0x0  }
0x48: {  	[sflag:s17] =	ssyncadd.s32 $0xFFFFD800  }
0x49: {  	_ =	swait.ge [sflag:s28], $0x2800  }
0x4a: {  	[sflag:s28] =	ssyncset.done $0x0  }
0x4b: {  	s7 =	sadd.s32 $0x100, s1;
	[sflag:s28] =	ssyncadd.s32 $0xFFFFD800  }
0x4c: {  	[tilespmem:s20], [sflag:$0x1] =	stream.indirect.gather [hbm4b:s6+s19], $0x80, s7, s19, $0xb8;
	[tilespmem:$0x1B000] =	vst v63  }
.Ltmp0:
0x4d: {  	_ = 	snop;
	(pc) =	sbr.rel @p0 .LBB2_3-.Ltmp0, $4  }
0x4e: {  	s1 =	sadd.s32 $0x1080, s1  }
0x4f: {  	[spmem:s2] =	stream.indirect.scatter.add.f32 [tilespmem:s26], [sflag:$0x3], $0x80, s1, s19, $0xb8;
	[tilespmem:$0x1B000] =	vst v63  }
0x50: {  	_ =	swait.ge [sflag:s17], $0x2800  }
0x51: {  	[sflag:s17] =	ssyncset.done $0x0  }
0x52: {  	[sflag:s17] =	ssyncadd.s32 $0xFFFFD800  }
0x53: {  	s31 =	sadd.s32 $0x1, s31;
	_ =	swait.ge [sflag:s21], $0x2800  }
0x54: {  	p0 =	sne.s32 s31, $0x5;
	[sflag:s21] =	ssyncset.done $0x0  }
.Ltmp1:
0x55: {  	[sflag:s21] =	ssyncadd.s32 $0xFFFFD800;
	(pc) =	sbr.rel @p0 .LBB2_2-.Ltmp1, $4  }
0x56: {  	[spmem:s2] =	stream.indirect.scatter.add.f32 [tilespmem:s20], [sflag:$0x3], $0x80, s29, s19, $0xb8;
	[tilespmem:$0x1B000] =	vst v63  }
0x57: {  	_ =	swait.ge [sflag:s17], $0x2800  }
0x58: {  	[sflag:s17] =	ssyncset.done $0x0  }
0x59: {  	[sflag:s17] =	ssyncadd.s32 $0xFFFFD800  }
0x5a: {  	[bflag:$0x0] =	sbarrier.arrive $0xFFFF  }
0x5b: {  	[hbm:s11], [sflag:s9] =	dma.local [spmem:s30], $0x800  }
0x5c: {  	_ =	swait.ge [sflag:s17], $0x800  }
0x5d: {  	[sflag:s17] =	ssyncset.done $0x0  }
0x5e: {  	[sflag:s17] =	ssyncadd.s32 $0xFFFFF800  }
0x5f: {  	[hbm:s13], [sflag:s9] =	dma.local [spmem:s22], $0x800  }
0x60: {  	_ =	swait.ge [sflag:s17], $0x800  }
0x61: {  	[sflag:s17] =	ssyncset.done $0x0  }
0x62: {  	[sflag:s17] =	ssyncadd.s32 $0xFFFFF800  }
0x63: {  	[hbm:s14], [sflag:s9] =	dma.local [spmem:s23], $0x800  }
0x64: {  	_ =	swait.ge [sflag:s17], $0x800  }
0x65: {  	[sflag:s17] =	ssyncset.done $0x0  }
0x66: {  	[sflag:s17] =	ssyncadd.s32 $0xFFFFF800  }
0x67: {  	[hbm:s15], [sflag:s9] =	dma.local [spmem:s24], $0x800  }
0x68: {  	s3 =	sadd.s32 $0x1, s3;
	_ =	swait.ge [sflag:s17], $0x800  }
0x69: {  	p0 =	sne.s32 s3, s12;
	[sflag:s17] =	ssyncset.done $0x0  }
.Ltmp2:
0x6a: {  	[sflag:s17] =	ssyncadd.s32 $0xFFFFF800;
	(pc) =	sbr.rel @p0 .LBB2_1-.Ltmp2, $4  }
0x6b: {  	[hbm:s16], [sflag:s9] =	dma.local [spmem:s25], $0x800  }
0x6c: {  	_ =	swait.ge [sflag:s17], $0x800  }
0x6d: {  	[sflag:s17] =	ssyncset.done $0x0  }
0x6e: {  	[sflag:s17] =	ssyncadd.s32 $0xFFFFF800  }
0x6f: {  	_ =	sfence.sel $0x180000  }
0x70: {  	[bflag:$0x0] =	sbarrier.arrive $0xFFFF  }
0x71: {  	_ =	strace $0x9000004A  }
0x72: {  	s0 =	stileid.u32;
	[bflag:$0x2] =	sbarrier.arrive $0xFFFF  }
0x73: {  	p0 =	sne.s32 s0, $0x0;
	s0 =	rddreg [dreg:$0x2]  }
0x74: {  	s0 =	sadd.s32 @!p0 $0x100000, s0  }
0x75: {  	[sflag:s0] =	ssyncadd.tile.s32 @!p0 $0x1;
	_ =	shalt  }
.Lfunc_end2:
_tile_overlayer_lowered:
.L_overlay_start_2:
0x76: {  	(tag) =	ssettag $0x2  }
0x77: {  	s0 =	rddreg [dreg:$0x0];
	s2 =	stileid.u32  }
0x78: {  	s1 =	rddreg [dreg:$0x1];
	p0 =	sne.s32 s2, $0x0  }
0x79: {  	s3 =	rddreg [dreg:$0x2];
	[bflag:$0x3] =	sbarrier.arrive $0xFFFF;
	s2 =	simm.s32 @!p0 $0x1C03  }
0x7a: {  	[timem:s3], [sflag:s2] =	dma.local @!p0 [hbm:s0], s1  }
0x7b: {  	s0 =	simm.s32 @!p0 $0x3  }
0x7c: {  	_ =	swait.ge @!p0 [sflag:s0], s1  }
0x7d: {  	s1 =	ssub.s32 @!p0 $0x0, s1;
	[sflag:s0] =	ssyncset.done @!p0 $0x0  }
0x7e: {  	[sflag:s0] =	ssyncadd.s32 @!p0 s1  }
0x7f: {  	[bflag:$0x3] =	sbarrier.arrive $0xFFFF  }
0x80: {  	_ =	shalt  }

// kernel: kernel.7.cloned.1.call-start
scs
__scs_entry_jumppad:
0x0: {  	(pc) =	sbr.rel $0x88, $3  }
0x1: {  	(tag) =	ssettag $0x0;
	lr =	simm.s32 $0x1  }
0x2: {  	[smem:$0x3F93] =	sst lr;
	_ =	strace $0xD0000000  }
0x3: {  	_ = 	snop  }
0x4: {  	_ = 	snop  }
0x5: {  	_ = 	snop  }
0x6: {  	_ = 	snop  }
0x7: {  	_ = 	snop  }
__scs_overlays_trampoline_lowered:
0x8: {  	[smem:$0x3FA2] =	sst s0  }
0x9: {  	[smem:$0x3FA3] =	sst s1  }
0xa: {  	[smem:$0x3FA4] =	sst s2  }
0xb: {  	[smem:$0x3FA5] =	sst s3  }
0xc: {  	[smem:$0x3FA6] =	sst s4  }
0xd: {  	[smem:$0x3FA7] =	sst s5  }
0xe: {  	[smem:$0x3FA8] =	sst s6  }
0xf: {  	[smem:$0x3FA9] =	sst s7  }
0x10: {  	[smem:$0x3FAA] =	sst s8  }
0x11: {  	[smem:$0x3FAB] =	sst s9;
	s0 =	simm.s32 @!p0 $0x0  }
0x12: {  	s1 =	sld [smem:$0x3F91];
	s0 =	simm.s32 @p0 $0x1  }
0x13: {  	[smem:$0x3FAC] =	sst s0;
	s0 =	simm.s32 @!p1 $0x0  }
0x14: {  	s2 =	sld [smem:$0x3F90];
	s0 =	simm.s32 @p1 $0x1  }
0x15: {  	[smem:$0x3FAD] =	sst s0;
	s0 =	simm.s32 @!p2 $0x0  }
0x16: {  	s3 =	sld [smem:$0x3FDB];
	s0 =	simm.s32 @p2 $0x1  }
0x17: {  	s4 =	simm.s32 $0x1BF5;
	[smem:$0x3FAF] =	sst s0  }
0x18: {  	s0 =	sld [smem:$0x3F92];
	_ =	swait.ge [sflag:s4], $0x0  }
0x19: {  	s7 =	sld [smem:$0x3F93]  }
0x1a: {  	s8 =	sadd.s32 $0xFFFFE003, lr  }
0x1b: {  	s9 =	sadd.s32 $0xFFFFFEF7, lr;
	s5 =	simm.s32 $0xFFFFFFFF;
	p2 =	slt.u32 s8, $0xFFFFF086  }
0x1c: {  	p1 =	slt.u32 s9, $0xF7A;
	s5 =	simm.s32 @!p2 $0x0  }
0x1d: {  	s5 =	simm.s32 @p1 $0x1;
	p0 =	seq.s32 s7, s2  }
0x1e: {  	s7 =	smul.u32 @!p0 $0xF7A, s2;
	p2 =	seq.s32 @!p0 s5, $0x0  }
0x1f: {  	s9 =	smul.u32 $0xF7A, s1;
	s8 =	simm.s32 @!p0 $0x1BF5;
	p2 =	por !p2, p0  }
0x20: {  	[sflag:s8] =	ssyncset.s32 @!p0 $0xFFFFF086;
	s6 =	sadd.s32 @!p0 s3, s7;
	s7 =	simm.s32 @!p0 $0x108  }
0x21: {  	s3 =	sadd.s32 s3, s9;
	s6 =	sadd.s32 @!p0 $0x88, s6;
	s7 =	simm.s32 @p2 $0x1082  }
0x22: {  	[simem:s7], [sflag:s8] =	dma.local @!p0 [hbm:s6], $0xF7A  }
0x23: {  	s9 =	sor.u32 $0xD0000000, s2;
	s6 =	simm.s32 $0x108;
	_ =	swait.ge @!p0 [sflag:s8], $0x0  }
0x24: {  	s3 =	sadd.s32 $0x88, s3;
	s6 =	simm.s32 @!p1 $0x1082;
	[sflag:s4] =	ssyncset.s32 $0xFFFFF086  }
0x25: {  	[simem:s6], [sflag:s4] =	dma.local [hbm:s3], $0xF7A  }
0x26: {  	[smem:$0x3F93] =	sst s1;
	(tag) =	ssettag s2;
	_ =	strace s9  }
0x27: {  	s1 =	sld [smem:$0x3FA3]  }
0x28: {  	s2 =	sld [smem:$0x3FA4]  }
0x29: {  	s4 =	sld [smem:$0x3FA6]  }
0x2a: {  	p0 =	seq.s32 s5, $0x0;
	s5 =	sld [smem:$0x3FA7]  }
0x2b: {  	s6 =	sld [smem:$0x3FA8]  }
0x2c: {  	s7 =	sld [smem:$0x3FA9]  }
0x2d: {  	s3 =	simm.s32 $0x108;
	s8 =	sld [smem:$0x3FAA]  }
0x2e: {  	s3 =	simm.s32 @!p0 $0x1082;
	s9 =	sld [smem:$0x3FAB]  }
0x2f: {  	lr =	sadd.s32 s0, s3;
	s0 =	sld [smem:$0x3FA2]  }
0x30: {  	s3 =	sld [smem:$0x3FA5]  }
0x31: {  	[smem:$0x3FAE] =	sst s10  }
0x32: {  	s10 =	sld [smem:$0x3FAC];
	_ =	sdelay $0x3  }
0x33: {  	p0 =	seq.s32 s10, $0x1;
	s10 =	sld [smem:$0x3FAE];
	_ =	sdelay $0x3  }
0x34: {  	[smem:$0x3FAE] =	sst s10  }
0x35: {  	s10 =	sld [smem:$0x3FAD];
	_ =	sdelay $0x3  }
0x36: {  	p1 =	seq.s32 s10, $0x1;
	s10 =	sld [smem:$0x3FAE];
	_ =	sdelay $0x3  }
0x37: {  	[smem:$0x3FAE] =	sst s10  }
0x38: {  	s10 =	sld [smem:$0x3FAF]  }
0x39: {  	_ = 	snop;
	(pc) =	sbr.ind lr, $3  }
0x3a: {  	_ = 	snop  }
0x3b: {  	_ = 	snop  }
0x3c: {  	p2 =	seq.s32 s10, $0x1;
	s10 =	sld [smem:$0x3FAE]  }
0x3d: {  	_ =	shalt  }
0x3e: {  	_ =	shalt  }
0x3f: {  	_ =	shalt  }
0x40: {  	_ =	shalt  }
0x41: {  	_ =	shalt  }
0x42: {  	_ =	shalt  }
0x43: {  	_ =	shalt  }
0x44: {  	_ =	shalt  }
0x45: {  	_ =	shalt  }
0x46: {  	_ =	shalt  }
0x47: {  	_ =	shalt  }
0x48: {  	_ =	shalt  }
0x49: {  	_ =	shalt  }
0x4a: {  	_ =	shalt  }
0x4b: {  	_ =	shalt  }
0x4c: {  	_ =	shalt  }
0x4d: {  	_ =	shalt  }
0x4e: {  	_ =	shalt  }
0x4f: {  	_ =	shalt  }
0x50: {  	_ =	shalt  }
0x51: {  	_ =	shalt  }
0x52: {  	_ =	shalt  }
0x53: {  	_ =	shalt  }
0x54: {  	_ =	shalt  }
0x55: {  	_ =	shalt  }
0x56: {  	_ =	shalt  }
0x57: {  	_ =	shalt  }
0x58: {  	_ =	shalt  }
0x59: {  	_ =	shalt  }
0x5a: {  	_ =	shalt  }
0x5b: {  	_ =	shalt  }
0x5c: {  	_ =	shalt  }
0x5d: {  	_ =	shalt  }
0x5e: {  	_ =	shalt  }
0x5f: {  	_ =	shalt  }
0x60: {  	_ =	shalt  }
0x61: {  	_ =	shalt  }
0x62: {  	_ =	shalt  }
0x63: {  	_ =	shalt  }
0x64: {  	_ =	shalt  }
0x65: {  	_ =	shalt  }
0x66: {  	_ =	shalt  }
0x67: {  	_ =	shalt  }
0x68: {  	_ =	shalt  }
0x69: {  	_ =	shalt  }
0x6a: {  	_ =	shalt  }
0x6b: {  	_ =	shalt  }
0x6c: {  	_ =	shalt  }
0x6d: {  	_ =	shalt  }
0x6e: {  	_ =	shalt  }
0x6f: {  	_ =	shalt  }
0x70: {  	_ =	shalt  }
0x71: {  	_ =	shalt  }
0x72: {  	_ =	shalt  }
0x73: {  	_ =	shalt  }
0x74: {  	_ =	shalt  }
0x75: {  	_ =	shalt  }
0x76: {  	_ =	shalt  }
0x77: {  	_ =	shalt  }
0x78: {  	_ =	shalt  }
0x79: {  	_ =	shalt  }
0x7a: {  	_ =	shalt  }
0x7b: {  	_ =	shalt  }
0x7c: {  	_ =	shalt  }
0x7d: {  	_ =	shalt  }
0x7e: {  	_ =	shalt  }
0x7f: {  	_ =	shalt  }
0x80: {  	_ =	shalt  }
0x81: {  	_ =	shalt  }
0x82: {  	_ =	shalt  }
0x83: {  	_ =	shalt  }
0x84: {  	_ =	shalt  }
0x85: {  	_ =	shalt  }
0x86: {  	_ =	shalt  }
0x87: {  	_ =	shalt  }
.Lfunc_end0:
.L_simem_size_0:
called_computation_lowered:
.L_overlay_start_0:
0x88: {  	s2 =	sld [smem:$0x3FD9]  }
0x89: {  	s3 =	sld [smem:$0x3FFE];
	_ =	sdelay $0x1  }
0x8a: {  	s1 =	srdreg.scid  }
0x8b: {  	s0 =	sand.u32 $0x1, s1  }
0x8c: {  	s16 =	sshll.u32 s0, $0xA;
	s2 =	sadd.s32 s3, s2  }
0x8d: {  	s2 =	sadd.s32 s2, s16  }
0x8e: {  	[smem:$0x3FBA] =	sst s2  }
0x8f: {  	_ = 	snop  }
0x90: {  	(tm) =	ssettm $0x1  }
0x91: {  	s17 =	sld [smem:$0x3FFB];
	_ =	sdelay $0x3  }
0x92: {  	_ =	strace s17  }
0x93: {  	s2 =	sld [smem:$0x3FFC];
	_ =	sdelay $0x3  }
0x94: {  	_ =	strace s2  }
0x95: {  	s2 =	sld [smem:$0x3FFD];
	_ =	sdelay $0x3  }
0x96: {  	_ =	strace s2  }
0x97: {  	_ =	strace $0x8FFFFFFF  }
0x98: {  	s18 =	sld [smem:$0x3FDB];
	_ =	sdelay $0x1  }
0x99: {  	s19 =	simm.s32 $_scs_section_size  }
0x9a: {  	s4 =	simm.s32 $_size__tile_overlayer_lowered;
	s5 =	simm.s32 $_tile_overlayer_lowered  }
0x9b: {  	s22 =	simm.s32 $0x1BFF;
	s21 =	sshll.u32 s5, $0x1;
	s2 =	sadd.s32 s19, s18  }
0x9c: {  	s6 =	simm.s32 $0x0;
	s20 =	sshll.u32 s4, $0x1;
	s4 =	sadd.s32 s21, s2  }
0x9d: {  	[timem:s6], [sflag:s22] =	dma.local [hbm:s4], s20  }
0x9e: {  	_ =	swait.ge [sflag:s22], s20  }
0x9f: {  	s3 =	ssub.s32 $0x0, s20;
	[sflag:s22] =	ssyncset.done $0x0  }
0xa0: {  	[sflag:s22] =	ssyncadd.s32 s3;
	_ =	sdelay $0x1  }
0xa1: {  	s23 =	simm.s32 $0x1B8B  }
0xa2: {  	_ =	swait.ge [sflag:s23], $0x1  }
0xa3: {  	[sflag:s23] =	ssyncset.done $0x0  }
0xa4: {  	s25 =	simm.s32 $0x1B8E;
	s24 =	sld [smem:$0x3FFE];
	[sflag:s23] =	ssyncadd.s32 $0xFFFFFFFF  }
0xa5: {  	s26 =	simm.s32 $execute0_lowered;
	[smem:$0x3FD2] =	sst s25  }
0xa6: {  	s4 =	sshll.u32 s26, $0x1;
	_ =	strace $0x80000046;
	[dreg:$0x1] =	wrdreg $0xFFFFFFFF  }
0xa7: {  	s28 =	simm.s32 $_size_execute0_lowered;
	s2 =	sadd.s32 s2, s4;
	[dreg:$0x0] =	wrdreg $0x0  }
0xa8: {  	s4 =	sshll.u32 s28, $0x1;
	[dreg:$0x2] =	wrdreg s2  }
0xa9: {  	[dreg:$0x3] =	wrdreg s4  }
0xaa: {  	[dreg:$0x4] =	wrdreg $0xC0  }
0xab: {  	_ =	task [dreg:s6], $0x5FFFF  }
0xac: {  	[dreg:$0x1] =	wrdreg $0xFFFFFFFF  }
0xad: {  	[dreg:$0x0] =	wrdreg $0x60  }
0xae: {  	[dreg:$0x2] =	wrdreg s24  }
0xaf: {  	[dreg:$0x3] =	wrdreg $0x70000  }
0xb0: {  	[dreg:$0x4] =	wrdreg $0x9  }
0xb1: {  	_ =	task.clear_ibuf [dreg:s6], $0x5FFFF;
	_ =	strace $0x90000046  }
0xb2: {  	s29 =	simm.s32 $0x9;
	_ =	strace $0x80000048  }
0xb3: {  	_ =	swait.ge [sflag:s29], $0x1  }
0xb4: {  	[sflag:s29] =	ssyncadd.s32 $0xFFFFFFFF  }
0xb5: {  	_ =	strace $0x90000048  }
0xb6: {  	_ =	sfence  }
0xb7: {  	s30 =	sld [smem:$0x0];
	_ =	sdelay $0x2  }
0xb8: {  	s31 =	sshll.u32 s1, $0xD;
	s1 =	sshrl.u32 s1, $0x2  }
0xb9: {  	s3 =	sand.u32 $0x4000, s31;
	s1 =	sadd.s32 s1, s30  }
0xba: {  	s0 =	sor.u32 s3, s0;
	s1 =	sshll.u32 s1, $0x11  }
0xbb: {  	s0 =	sor.u32 s1, s0  }
0xbc: {  	s0 =	sadd.s32 $0x8F2B, s0  }
0xbd: {  	[sflag:s0] =	ssyncadd.remote.s32 $0x1  }
0xbe: {  	_ =	sfence.sel $0xFFFF  }
0xbf: {  	[dreg:$0x0] =	wrdreg $0xFFFFFFFF;
	(pc) =	sbr.abs _section_cstart, $3  }
0xc0: {  	[dreg:$0x1] =	wrdreg $0xFFFFFFFF  }
0xc1: {  	_ =	task.clear_ibuf [dreg:s6], $0x2FFFF;
	_ =	strace $0x9FFFFFFF  }
0xc2: {  	(tm) =	ssettm $0x7FFFFFFF  }
0xc3: {  	_ =	shalt  }
tec
execute0_lowered:
.L_overlay_start_1:
0x0: {  	(tag) =	ssettag $0x1  }
0x1: {  	s0 =	rddreg [dreg:$0x0]  }
0x2: {  	s2 =	rddreg [dreg:$0x1];
	s3 =	simm.s32 $0x0;
	s18 =	stileid.u32  }
0x3: {  	s7 =	srdreg.scid;
	[smem:$0x7FF] =	sst s3  }
0x4: {  	s1 =	smul.u32 $0x2800, s18;
	s4 =	sadd.s32 $0x3200, s0;
	s5 =	sadd.s32 $0x17200, s0  }
0x5: {  	s6 =	sadd.s32 $0x2B200, s0;
	s7 =	sand.u32 $0x1, s7;
	s9 =	smul.u32 $0x50000, s18  }
0x6: {  	s10 =	sadd.s32 $0x7A400, s0;
	s13 =	smul.u32 $0x14000, s18;
	_ =	strace $0x80000047  }
0x7: {  	s8 =	ssub.s32 $0x2, s7;
	s12 =	smul.u32 $0x140000, s7;
	s7 =	sshll.u32 s7, $0x4  }
0x8: {  	s1 =	sadd.s32 s1, s0;
	s0 =	sadd.s32 $0xCA400, s0;
	s11 =	sshrl.u32 s8, $0x1  }
0x9: {  	s9 =	sshrl.u32 s9, $0x2;
	s7 =	sor.u32 s18, s7;
	s14 =	sadd.s32 $0x4000, s13  }
0xa: {  	s11 =	ssub.s32 s8, s11;
	s22 =	sadd.s32 s9, s2;
	s8 =	sadd.s32 $0x52400, s1  }
0xb: {  	s23 =	sadd.s32 s12, s13;
	s9 =	smul.u32 $0x5000, s7;
	s24 =	sadd.s32 s12, s14  }
0xc: {  	[dreg:$0x3] =	wrdreg s22;
	s1 =	sshrl.u32 s23, $0x3;
	s23 =	smax.u32 s11, $0x1  }
0xd: {  	s25 =	sshrl.u32 s24, $0x3;
	s15 =	sadd.s32 s0, s1;
	[dreg:$0xe] =	wrdreg s23  }
0xe: {  	s22 =	sshll.u32 s18, $0x6;
	s1 =	sadd.s32 s10, s1;
	[dreg:$0x4] =	wrdreg s15  }
0xf: {  	s11 =	simm.s32 $0x1;
	s7 =	sadd.s32 s10, s25;
	[dreg:$0x5] =	wrdreg s1  }
0x10: {  	s24 =	sshrl.u32 s9, $0x3;
	[dreg:$0x6] =	wrdreg s7;
	s7 =	sadd.s32 $0x8000, s13  }
0x11: {  	s15 =	sadd.s32 $0xC000, s13;
	s13 =	sadd.s32 $0x10000, s13;
	s1 =	sadd.s32 s0, s25  }
0x12: {  	s25 =	sadd.s32 s14, s2;
	s24 =	sadd.s32 s5, s24;
	s14 =	simm.s32 $0x1C00  }
0x13: {  	s16 =	sadd.s32 s12, s7;
	s17 =	sadd.s32 s12, s15;
	[dreg:$0xa] =	wrdreg s1  }
0x14: {  	s12 =	sadd.s32 s12, s13;
	[dreg:$0xf] =	wrdreg s25;
	s25 =	sadd.s32 s15, s2  }
0x15: {  	s28 =	sadd.s32 $0x200, s24;
	s29 =	sadd.s32 $0x400, s24;
	s16 =	sshrl.u32 s16, $0x3  }
0x16: {  	s30 =	sadd.s32 $0x600, s24;
	s17 =	sshrl.u32 s17, $0x3;
	s19 =	sadd.s32 s10, s16  }
0x17: {  	s12 =	sshrl.u32 s12, $0x3;
	s26 =	sadd.s32 s10, s17;
	[dreg:$0x7] =	wrdreg s19  }
0x18: {  	s31 =	sadd.s32 $0x800, s24;
	s10 =	sadd.s32 s10, s12;
	[dreg:$0x8] =	wrdreg s26  }
0x19: {  	s1 =	simm.s32 $0x1000;
	s20 =	sadd.s32 s0, s16;
	[dreg:$0x9] =	wrdreg s10  }
0x1a: {  	s15 =	simm.s32 $0x1B000;
	s21 =	sadd.s32 s0, s17;
	[dreg:$0xb] =	wrdreg s20  }
0x1b: {  	s0 =	sadd.s32 s0, s12;
	s12 =	simm.s32 $0x4800;
	[dreg:$0xc] =	wrdreg s21  }
0x1c: {  	[dreg:$0xd] =	wrdreg s0;
	s20 =	sor.u32 $0x1C03, s22;
	s26 =	sadd.s32 s7, s2  }
0x1d: {  	s0 =	simm.s32 $0x3;
	s7 =	simm.s32 $0x50;
	s10 =	simm.s32 $0x2000  }
0x1e: {  	v0 =	vimm.f32 $1.000000000e+00;
	[dreg:$0x10] =	wrdreg s26;
	s26 =	sadd.s32 s13, s2;
	s13 =	simm.s32 $0x2  }
.LBB2_1:
0x1f: {  	s16 =	rddreg [dreg:$0x3]  }
0x20: {  	s16 =	sshrl.u32 s16, $0x3  }
0x21: {  	[spmem:s16], [sflag:s20] =	dma.local [hbm:s8], $0x2800  }
0x22: {  	_ =	swait.ge [sflag:s0], $0x2800  }
0x23: {  	[sflag:s0] =	ssyncset.done $0x0  }
0x24: {  	[sflag:s0] =	ssyncadd.s32 $0xFFFFD800  }
0x25: {  	s17 =	simm.s32 $0x0;
	[bflag:$0x0] =	sbarrier.arrive $0xFFFF  }
.LBB2_2:
0x26: {  	s18 =	sshll.u32 s17, $0xC  }
0x27: {  	s18 =	sadd.s32 s9, s18  }
0x28: {  	s18 =	sshrl.u32 s18, $0x3  }
0x29: {  	s21 =	simm.s32 $0x0;
	s19 =	sadd.s32 s4, s18  }
0x2a: {  	[tilespmem:s21], [sflag:$0x3] =	stream.linear.gather [hbm4b:s19+s21], $0xC80, $0x38;
	[tilespmem:$0x1D800] =	vst v63  }
0x2b: {  	_ =	swait.ge [sflag:s0], $0xC80  }
0x2c: {  	[sflag:s0] =	ssyncset.done $0x0  }
0x2d: {  	s18 =	sadd.s32 s5, s18;
	[sflag:s0] =	ssyncadd.s32 $0xFFFFF380  }
0x2e: {  	[tilespmem:s1], [sflag:$0x3] =	stream.linear.gather [hbm4b:s18+s21], $0xC80, $0x38;
	[tilespmem:$0x1D800] =	vst v63  }
0x2f: {  	_ =	swait.ge [sflag:s0], $0xC80  }
0x30: {  	[sflag:s0] =	ssyncset.done $0x0  }
0x31: {  	[sflag:s0] =	ssyncadd.s32 $0xFFFFF380  }
0x32: {  	[tilespmem:s10], [sflag:$0x1] =	stream.indirect.gather [hbm4b:s6+s7], $0x80, s21, s7, $0xb8;
	[tilespmem:$0x1D800] =	vst v63  }
0x33: {  	_ =	swait.ge [sflag:s11], $0x2800  }
0x34: {  	[sflag:s11] =	ssyncset.done $0x0  }
0x35: {  	s19 =	simm.s32 $0x80;
	[sflag:s11] =	ssyncadd.s32 $0xFFFFD800  }
0x36: {  	[tilespmem:s12], [sflag:$0x2] =	stream.indirect.gather [hbm4b:s6+s7], $0x80, s19, s7, $0xb8;
	[tilespmem:$0x1D800] =	vst v63  }
0x37: {  	s21 =	simm.s32 $0x1000  }
0x38: {  	[spmem:s2] =	stream.indirect.scatter.add.f32 [tilespmem:s10], [sflag:$0x3], $0x80, s21, s7, $0xb8;
	[tilespmem:$0x1D800] =	vst v63  }
0x39: {  	_ =	swait.ge [sflag:s0], $0x2800  }
0x3a: {  	[sflag:s0] =	ssyncset.done $0x0  }
0x3b: {  	[sflag:s0] =	ssyncadd.s32 $0xFFFFD800  }
0x3c: {  	_ =	swait.ge [sflag:s13], $0x2800  }
0x3d: {  	[sflag:s13] =	ssyncset.done $0x0  }
0x3e: {  	s22 =	simm.s32 $0x100;
	[sflag:s13] =	ssyncadd.s32 $0xFFFFD800  }
0x3f: {  	[tilespmem:s10], [sflag:$0x1] =	stream.indirect.gather [hbm4b:s6+s7], $0x80, s22, s7, $0xb8;
	[tilespmem:$0x1D800] =	vst v63  }
0x40: {  	s23 =	simm.s32 $0x1080  }
0x41: {  	[spmem:s2] =	stream.indirect.scatter.add.f32 [tilespmem:s12], [sflag:$0x3], $0x80, s23, s7, $0xb8;
	[tilespmem:$0x1D800] =	vst v63  }
0x42: {  	_ =	swait.ge [sflag:s0], $0x2800  }
0x43: {  	s18 =	simm.s32 $0x400;
	[sflag:s0] =	ssyncset.done $0x0  }
.LBB2_3:
0x44: {  	p0 =	sne.s32 s18, $0x2C00  }
0x45: {  	[sflag:s0] =	ssyncadd.s32 $0xFFFFD800;
	s19 =	smov.u32 s18;
	s18 =	sadd.s32 $0x400, s18  }
0x46: {  	_ = 	snop  }
0x47: {  	_ =	swait.ge [sflag:s11], $0x2800  }
0x48: {  	s19 =	sshra.s32 s19, $0x2;
	[sflag:s11] =	ssyncset.done $0x0  }
0x49: {  	s21 =	sadd.s32 $0x80, s19;
	[sflag:s11] =	ssyncadd.s32 $0xFFFFD800  }
0x4a: {  	[tilespmem:s12], [sflag:$0x2] =	stream.indirect.gather [hbm4b:s6+s7], $0x80, s21, s7, $0xb8;
	[tilespmem:$0x1D800] =	vst v63  }
0x4b: {  	s21 =	sadd.s32 $0x1000, s19  }
0x4c: {  	[spmem:s2] =	stream.indirect.scatter.add.f32 [tilespmem:s10], [sflag:$0x3], $0x80, s21, s7, $0xb8;
	[tilespmem:$0x1D800] =	vst v63  }
0x4d: {  	_ =	swait.ge [sflag:s0], $0x2800  }
0x4e: {  	[sflag:s0] =	ssyncset.done $0x0  }
0x4f: {  	[sflag:s0] =	ssyncadd.s32 $0xFFFFD800  }
0x50: {  	_ =	swait.ge [sflag:s13], $0x2800  }
0x51: {  	[sflag:s13] =	ssyncset.done $0x0  }
0x52: {  	s21 =	sadd.s32 $0x100, s19;
	[sflag:s13] =	ssyncadd.s32 $0xFFFFD800  }
0x53: {  	[tilespmem:s10], [sflag:$0x1] =	stream.indirect.gather [hbm4b:s6+s7], $0x80, s21, s7, $0xb8;
	[tilespmem:$0x1D800] =	vst v63  }
.Ltmp0:
0x54: {  	_ = 	snop;
	(pc) =	sbr.rel @p0 .LBB2_3-.Ltmp0, $4  }
0x55: {  	s19 =	sadd.s32 $0x1080, s19  }
0x56: {  	[spmem:s2] =	stream.indirect.scatter.add.f32 [tilespmem:s12], [sflag:$0x3], $0x80, s19, s7, $0xb8;
	[tilespmem:$0x1D800] =	vst v63  }
0x57: {  	_ =	swait.ge [sflag:s0], $0x2800  }
0x58: {  	[sflag:s0] =	ssyncset.done $0x0  }
0x59: {  	[sflag:s0] =	ssyncadd.s32 $0xFFFFD800  }
0x5a: {  	s17 =	sadd.s32 $0x1, s17;
	_ =	swait.ge [sflag:s11], $0x2800  }
0x5b: {  	p0 =	sne.s32 s17, $0x5;
	[sflag:s11] =	ssyncset.done $0x0  }
.Ltmp1:
0x5c: {  	[sflag:s11] =	ssyncadd.s32 $0xFFFFD800;
	(pc) =	sbr.rel @p0 .LBB2_2-.Ltmp1, $4  }
0x5d: {  	[spmem:s2] =	stream.indirect.scatter.add.f32 [tilespmem:s10], [sflag:$0x3], $0x80, s14, s7, $0xb8;
	[tilespmem:$0x1D800] =	vst v63  }
0x5e: {  	_ =	swait.ge [sflag:s0], $0x2800  }
0x5f: {  	[sflag:s0] =	ssyncset.done $0x0  }
0x60: {  	[sflag:s0] =	ssyncadd.s32 $0xFFFFD800  }
0x61: {  	[bflag:$0x0] =	sbarrier.arrive $0xFFFF  }
0x62: {  	s17 =	rddreg [dreg:$0x5]  }
0x63: {  	[hbm:s17], [sflag:s20] =	dma.local [spmem:s16], $0x800  }
0x64: {  	_ =	swait.ge [sflag:s0], $0x800  }
0x65: {  	[sflag:s0] =	ssyncset.done $0x0;
	s22 =	rddreg [dreg:$0xf]  }
0x66: {  	s18 =	rddreg [dreg:$0x6];
	[sflag:s0] =	ssyncadd.s32 $0xFFFFF800;
	s17 =	sshrl.u32 s22, $0x3  }
0x67: {  	[hbm:s18], [sflag:s20] =	dma.local [spmem:s17], $0x800  }
0x68: {  	_ =	swait.ge [sflag:s0], $0x800  }
0x69: {  	[sflag:s0] =	ssyncset.done $0x0;
	s23 =	rddreg [dreg:$0x10]  }
0x6a: {  	s19 =	rddreg [dreg:$0x7];
	[sflag:s0] =	ssyncadd.s32 $0xFFFFF800;
	s18 =	sshrl.u32 s23, $0x3  }
0x6b: {  	[hbm:s19], [sflag:s20] =	dma.local [spmem:s18], $0x800  }
0x6c: {  	_ =	swait.ge [sflag:s0], $0x800  }
0x6d: {  	[sflag:s0] =	ssyncset.done $0x0  }
0x6e: {  	s19 =	sshrl.u32 s25, $0x3;
	s21 =	rddreg [dreg:$0x8];
	[sflag:s0] =	ssyncadd.s32 $0xFFFFF800  }
0x6f: {  	[hbm:s21], [sflag:s20] =	dma.local [spmem:s19], $0x800  }
0x70: {  	_ =	swait.ge [sflag:s0], $0x800  }
0x71: {  	[sflag:s0] =	ssyncset.done $0x0  }
0x72: {  	s21 =	sshrl.u32 s26, $0x3;
	s22 =	rddreg [dreg:$0x9];
	[sflag:s0] =	ssyncadd.s32 $0xFFFFF800  }
0x73: {  	[hbm:s22], [sflag:s20] =	dma.local [spmem:s21], $0x800  }
0x74: {  	_ =	swait.ge [sflag:s0], $0x800  }
0x75: {  	[sflag:s0] =	ssyncset.done $0x0  }
0x76: {  	s23 =	simm.s32 $0x3C0;
	s22 =	simm.s32 $0x70;
	[sflag:s0] =	ssyncadd.s32 $0xFFFFF800  }
.LBB2_6:
0x77: {  	p0 =	sne.s32 s23, $0x9FC0;
	[tilespmem:s22+$0x1B000] =	vst v0  }
0x78: {  	[tilespmem:s22+$0x1AF90] =	vst v0  }
0x79: {  	[tilespmem:s22+$0x1AFA0] =	vst v0  }
.Ltmp2:
0x7a: {  	[tilespmem:s22+$0x1AFB0] =	vst v0;
	(pc) =	sbr.rel @p0 .LBB2_6-.Ltmp2, $4  }
0x7b: {  	[tilespmem:s22+$0x1AFC0] =	vst v0  }
0x7c: {  	[tilespmem:s22+$0x1AFD0] =	vst v0  }
0x7d: {  	[tilespmem:s22+$0x1AFE0] =	vst v0  }
0x7e: {  	[tilespmem:s22+$0x1AFF0] =	vst v0;
	s22 =	sshra.s32 s23, $0x2;
	s23 =	sadd.s32 $0x200, s23  }
0x7f: {  	[tilespmem:s22+$0x1B000] =	vst v0  }
0x80: {  	[tilespmem:s22+$0x1AF90] =	vst v0  }
0x81: {  	[tilespmem:s22+$0x1AFA0] =	vst v0  }
0x82: {  	[tilespmem:s22+$0x1AFB0] =	vst v0  }
0x83: {  	[tilespmem:s22+$0x1AFC0] =	vst v0  }
0x84: {  	[tilespmem:s22+$0x1AFD0] =	vst v0  }
0x85: {  	[tilespmem:s22+$0x1AFE0] =	vst v0  }
0x86: {  	[tilespmem:s22+$0x1AFF0] =	vst v0  }
0x87: {  	[bflag:$0x0] =	sbarrier.arrive $0xFFFF  }
0x88: {  	[spmem:s16], [sflag:s20] =	dma.local [hbm:s8], $0x2800  }
0x89: {  	_ =	swait.ge [sflag:s0], $0x2800  }
0x8a: {  	[sflag:s0] =	ssyncset.done $0x0  }
0x8b: {  	[sflag:s0] =	ssyncadd.s32 $0xFFFFD800  }
0x8c: {  	s23 =	simm.s32 $0x0;
	[bflag:$0x0] =	sbarrier.arrive $0xFFFF  }
0x8d: {  	[tilespmem:s1], [sflag:$0x3] =	stream.linear.gather [hbm4b:s24+s23], $0xC80, $0x38;
	[tilespmem:$0x1D800] =	vst v63  }
0x8e: {  	_ =	swait.ge [sflag:s0], $0xC80  }
0x8f: {  	[sflag:s0] =	ssyncset.done $0x0  }
0x90: {  	s23 =	simm.s32 $0x1000;
	[sflag:s0] =	ssyncadd.s32 $0xFFFFF380  }
0x91: {  	[spmem:s2] =	stream.indirect.scatter.add.f32 [tilespmem:s15], [sflag:$0x3], $0x80, s23, s7, $0xb8;
	[tilespmem:$0x1D800] =	vst v63  }
0x92: {  	s22 =	simm.s32 $0x200;
	_ =	swait.ge [sflag:s0], $0x2800  }
.LBB2_8:
0x93: {  	s23 =	sshra.s32 s22, $0x2;
	[sflag:s0] =	ssyncset.done $0x0;
	p0 =	sne.s32 s22, $0x3000  }
.Ltmp3:
0x94: {  	s23 =	sadd.s32 $0x1000, s23;
	[sflag:s0] =	ssyncadd.s32 $0xFFFFD800;
	(pc) =	sbr.rel @p0 .LBB2_8-.Ltmp3, $3  }
0x95: {  	[spmem:s2] =	stream.indirect.scatter.add.f32 [tilespmem:s15], [sflag:$0x3], $0x80, s23, s7, $0xb8;
	[tilespmem:$0x1D800] =	vst v63  }
0x96: {  	s22 =	sadd.s32 $0x200, s22;
	_ =	sdelay $0x1  }
0x97: {  	_ =	swait.ge [sflag:s0], $0x2800  }
0x98: {  	[sflag:s0] =	ssyncset.done $0x0  }
0x99: {  	s22 =	simm.s32 $0x0;
	[sflag:s0] =	ssyncadd.s32 $0xFFFFD800  }
0x9a: {  	[tilespmem:s1], [sflag:$0x3] =	stream.linear.gather [hbm4b:s28+s22], $0xC80, $0x38;
	[tilespmem:$0x1D800] =	vst v63  }
0x9b: {  	_ =	swait.ge [sflag:s0], $0xC80  }
0x9c: {  	[sflag:s0] =	ssyncset.done $0x0  }
0x9d: {  	s23 =	simm.s32 $0x1000;
	[sflag:s0] =	ssyncadd.s32 $0xFFFFF380  }
0x9e: {  	[spmem:s2] =	stream.indirect.scatter.add.f32 [tilespmem:s15], [sflag:$0x3], $0x80, s23, s7, $0xb8;
	[tilespmem:$0x1D800] =	vst v63  }
0x9f: {  	s22 =	simm.s32 $0x200;
	_ =	swait.ge [sflag:s0], $0x2800  }
.LBB2_10:
0xa0: {  	s23 =	sshra.s32 s22, $0x2;
	[sflag:s0] =	ssyncset.done $0x0;
	p0 =	sne.s32 s22, $0x3000  }
.Ltmp4:
0xa1: {  	s23 =	sadd.s32 $0x1000, s23;
	[sflag:s0] =	ssyncadd.s32 $0xFFFFD800;
	(pc) =	sbr.rel @p0 .LBB2_10-.Ltmp4, $3  }
0xa2: {  	[spmem:s2] =	stream.indirect.scatter.add.f32 [tilespmem:s15], [sflag:$0x3], $0x80, s23, s7, $0xb8;
	[tilespmem:$0x1D800] =	vst v63  }
0xa3: {  	s22 =	sadd.s32 $0x200, s22;
	_ =	sdelay $0x1  }
0xa4: {  	_ =	swait.ge [sflag:s0], $0x2800  }
0xa5: {  	[sflag:s0] =	ssyncset.done $0x0  }
0xa6: {  	s22 =	simm.s32 $0x0;
	[sflag:s0] =	ssyncadd.s32 $0xFFFFD800  }
0xa7: {  	[tilespmem:s1], [sflag:$0x3] =	stream.linear.gather [hbm4b:s29+s22], $0xC80, $0x38;
	[tilespmem:$0x1D800] =	vst v63  }
0xa8: {  	_ =	swait.ge [sflag:s0], $0xC80  }
0xa9: {  	[sflag:s0] =	ssyncset.done $0x0  }
0xaa: {  	s23 =	simm.s32 $0x1000;
	[sflag:s0] =	ssyncadd.s32 $0xFFFFF380  }
0xab: {  	[spmem:s2] =	stream.indirect.scatter.add.f32 [tilespmem:s15], [sflag:$0x3], $0x80, s23, s7, $0xb8;
	[tilespmem:$0x1D800] =	vst v63  }
0xac: {  	s22 =	simm.s32 $0x200;
	_ =	swait.ge [sflag:s0], $0x2800  }
.LBB2_12:
0xad: {  	s23 =	sshra.s32 s22, $0x2;
	[sflag:s0] =	ssyncset.done $0x0;
	p0 =	sne.s32 s22, $0x3000  }
.Ltmp5:
0xae: {  	s23 =	sadd.s32 $0x1000, s23;
	[sflag:s0] =	ssyncadd.s32 $0xFFFFD800;
	(pc) =	sbr.rel @p0 .LBB2_12-.Ltmp5, $3  }
0xaf: {  	[spmem:s2] =	stream.indirect.scatter.add.f32 [tilespmem:s15], [sflag:$0x3], $0x80, s23, s7, $0xb8;
	[tilespmem:$0x1D800] =	vst v63  }
0xb0: {  	s22 =	sadd.s32 $0x200, s22;
	_ =	sdelay $0x1  }
0xb1: {  	_ =	swait.ge [sflag:s0], $0x2800  }
0xb2: {  	[sflag:s0] =	ssyncset.done $0x0  }
0xb3: {  	s22 =	simm.s32 $0x0;
	[sflag:s0] =	ssyncadd.s32 $0xFFFFD800  }
0xb4: {  	[tilespmem:s1], [sflag:$0x3] =	stream.linear.gather [hbm4b:s30+s22], $0xC80, $0x38;
	[tilespmem:$0x1D800] =	vst v63  }
0xb5: {  	_ =	swait.ge [sflag:s0], $0xC80  }
0xb6: {  	[sflag:s0] =	ssyncset.done $0x0  }
0xb7: {  	s23 =	simm.s32 $0x1000;
	[sflag:s0] =	ssyncadd.s32 $0xFFFFF380  }
0xb8: {  	[spmem:s2] =	stream.indirect.scatter.add.f32 [tilespmem:s15], [sflag:$0x3], $0x80, s23, s7, $0xb8;
	[tilespmem:$0x1D800] =	vst v63  }
0xb9: {  	s22 =	simm.s32 $0x200;
	_ =	swait.ge [sflag:s0], $0x2800  }
.LBB2_14:
0xba: {  	s23 =	sshra.s32 s22, $0x2;
	[sflag:s0] =	ssyncset.done $0x0;
	p0 =	sne.s32 s22, $0x3000  }
.Ltmp6:
0xbb: {  	s23 =	sadd.s32 $0x1000, s23;
	[sflag:s0] =	ssyncadd.s32 $0xFFFFD800;
	(pc) =	sbr.rel @p0 .LBB2_14-.Ltmp6, $3  }
0xbc: {  	[spmem:s2] =	stream.indirect.scatter.add.f32 [tilespmem:s15], [sflag:$0x3], $0x80, s23, s7, $0xb8;
	[tilespmem:$0x1D800] =	vst v63  }
0xbd: {  	s22 =	sadd.s32 $0x200, s22;
	_ =	sdelay $0x1  }
0xbe: {  	_ =	swait.ge [sflag:s0], $0x2800  }
0xbf: {  	[sflag:s0] =	ssyncset.done $0x0  }
0xc0: {  	s22 =	simm.s32 $0x0;
	[sflag:s0] =	ssyncadd.s32 $0xFFFFD800  }
0xc1: {  	[tilespmem:s1], [sflag:$0x3] =	stream.linear.gather [hbm4b:s31+s22], $0xC80, $0x38;
	[tilespmem:$0x1D800] =	vst v63  }
0xc2: {  	_ =	swait.ge [sflag:s0], $0xC80  }
0xc3: {  	[sflag:s0] =	ssyncset.done $0x0  }
0xc4: {  	s23 =	simm.s32 $0x1000;
	[sflag:s0] =	ssyncadd.s32 $0xFFFFF380  }
0xc5: {  	[spmem:s2] =	stream.indirect.scatter.add.f32 [tilespmem:s15], [sflag:$0x3], $0x80, s23, s7, $0xb8;
	[tilespmem:$0x1D800] =	vst v63  }
0xc6: {  	s22 =	simm.s32 $0x200;
	_ =	swait.ge [sflag:s0], $0x2800  }
.LBB2_16:
0xc7: {  	s23 =	sshra.s32 s22, $0x2;
	[sflag:s0] =	ssyncset.done $0x0;
	p0 =	sne.s32 s22, $0x3000  }
.Ltmp7:
0xc8: {  	s23 =	sadd.s32 $0x1000, s23;
	[sflag:s0] =	ssyncadd.s32 $0xFFFFD800;
	(pc) =	sbr.rel @p0 .LBB2_16-.Ltmp7, $3  }
0xc9: {  	[spmem:s2] =	stream.indirect.scatter.add.f32 [tilespmem:s15], [sflag:$0x3], $0x80, s23, s7, $0xb8;
	[tilespmem:$0x1D800] =	vst v63  }
0xca: {  	s22 =	sadd.s32 $0x200, s22;
	_ =	sdelay $0x1  }
0xcb: {  	_ =	swait.ge [sflag:s0], $0x2800  }
0xcc: {  	[sflag:s0] =	ssyncset.done $0x0  }
0xcd: {  	[sflag:s0] =	ssyncadd.s32 $0xFFFFD800  }
0xce: {  	[bflag:$0x0] =	sbarrier.arrive $0xFFFF  }
0xcf: {  	s22 =	rddreg [dreg:$0x4]  }
0xd0: {  	[hbm:s22], [sflag:s20] =	dma.local [spmem:s16], $0x800  }
0xd1: {  	_ =	swait.ge [sflag:s0], $0x800  }
0xd2: {  	[sflag:s0] =	ssyncset.done $0x0  }
0xd3: {  	s23 =	rddreg [dreg:$0xa];
	[sflag:s0] =	ssyncadd.s32 $0xFFFFF800  }
0xd4: {  	[hbm:s23], [sflag:s20] =	dma.local [spmem:s17], $0x800  }
0xd5: {  	_ =	swait.ge [sflag:s0], $0x800  }
0xd6: {  	[sflag:s0] =	ssyncset.done $0x0  }
0xd7: {  	s17 =	rddreg [dreg:$0xb];
	[sflag:s0] =	ssyncadd.s32 $0xFFFFF800  }
0xd8: {  	[hbm:s17], [sflag:s20] =	dma.local [spmem:s18], $0x800  }
0xd9: {  	_ =	swait.ge [sflag:s0], $0x800  }
0xda: {  	[sflag:s0] =	ssyncset.done $0x0  }
0xdb: {  	s18 =	rddreg [dreg:$0xc];
	[sflag:s0] =	ssyncadd.s32 $0xFFFFF800  }
0xdc: {  	[hbm:s18], [sflag:s20] =	dma.local [spmem:s19], $0x800  }
0xdd: {  	_ =	swait.ge [sflag:s0], $0x800  }
0xde: {  	[sflag:s0] =	ssyncset.done $0x0  }
0xdf: {  	s22 =	rddreg [dreg:$0xd];
	[sflag:s0] =	ssyncadd.s32 $0xFFFFF800  }
0xe0: {  	[hbm:s22], [sflag:s20] =	dma.local [spmem:s21], $0x800  }
0xe1: {  	_ =	swait.ge [sflag:s0], $0x800  }
0xe2: {  	s3 =	sadd.s32 $0x1, s3;
	s23 =	rddreg [dreg:$0xe]  }
0xe3: {  	p0 =	sne.s32 s3, s23  }
.Ltmp8:
0xe4: {  	_ = 	snop;
	(pc) =	sbr.rel @p0 .LBB2_1-.Ltmp8, $3  }
0xe5: {  	_ =	sdelay $0x1  }
0xe6: {  	[sflag:s0] =	ssyncset.done $0x0  }
0xe7: {  	[sflag:s0] =	ssyncadd.s32 $0xFFFFF800  }
0xe8: {  	_ =	sfence.sel $0x180000  }
0xe9: {  	[bflag:$0x0] =	sbarrier.arrive $0xFFFF  }
0xea: {  	_ =	strace $0x90000047  }
0xeb: {  	s0 =	stileid.u32;
	[bflag:$0x2] =	sbarrier.arrive $0xFFFF  }
0xec: {  	p0 =	sne.s32 s0, $0x0;
	s0 =	rddreg [dreg:$0x2]  }
0xed: {  	s0 =	sadd.s32 @!p0 $0x100000, s0  }
0xee: {  	[sflag:s0] =	ssyncadd.tile.s32 @!p0 $0x1;
	_ =	shalt  }
.Lfunc_end2:
_tile_overlayer_lowered:
.L_overlay_start_2:
0xef: {  	(tag) =	ssettag $0x2  }
0xf0: {  	s0 =	rddreg [dreg:$0x0];
	s2 =	stileid.u32  }
0xf1: {  	s1 =	rddreg [dreg:$0x1];
	p0 =	sne.s32 s2, $0x0  }
0xf2: {  	s3 =	rddreg [dreg:$0x2];
	[bflag:$0x3] =	sbarrier.arrive $0xFFFF;
	s2 =	simm.s32 @!p0 $0x1C03  }
0xf3: {  	[timem:s3], [sflag:s2] =	dma.local @!p0 [hbm:s0], s1  }
0xf4: {  	s0 =	simm.s32 @!p0 $0x3  }
0xf5: {  	_ =	swait.ge @!p0 [sflag:s0], s1  }
0xf6: {  	s1 =	ssub.s32 @!p0 $0x0, s1;
	[sflag:s0] =	ssyncset.done @!p0 $0x0  }
0xf7: {  	[sflag:s0] =	ssyncadd.s32 @!p0 s1  }
0xf8: {  	[bflag:$0x3] =	sbarrier.arrive $0xFFFF  }
0xf9: {  	_ =	shalt  }

</sc_bundles>
